<compile_context>
chip_gen: v7x
topology: tpu7x:2x2x1
jax: 0.10.2.dev20260603
libtpu: 0.0.44.dev20260713+nightly
codegen_flags: <defaults>
</compile_context>

<pallas_src>
import jax
import jax.numpy as jnp
from jax import lax
from jax.experimental import pallas as pl
from jax.experimental.pallas import tpu as pltpu
from jax.experimental.pallas import tpu_sc as plsc

_B, _D, _L = 8, 256, 576
_K = 8192
_N = _B * _L

_RT = 4608
_KT = 2048
_CHUNK = 512
_NR = _N // _RT
_NK = _K // _KT

_NC = 2
_NS = 16
_NW = _NC * _NS
_BPW = _N // _NW
_CH = 2
_CW = _BPW // _CH


_LANES = 128


def _argmin_body(zsq_ref, z2_ref, c_ref, csq_ref, idx_ref, rv_ref, ri_ref):
    k = pl.program_id(1)

    @pl.when(k == 0)
    def _():
        rv_ref[...] = jnp.full((_RT, _LANES), jnp.inf, jnp.float32)
        ri_ref[...] = jnp.zeros((_RT, _LANES), jnp.float32)

    z2 = z2_ref[...] * 2.0
    zsq = zsq_ref[...]
    lane = lax.broadcasted_iota(jnp.int32, (_RT, _LANES), 1).astype(jnp.float32)

    rv = rv_ref[...]
    ri = ri_ref[...]
    for v in range(_KT // _CHUNK):
        c = c_ref[pl.ds(k * _KT + v * _CHUNK, _CHUNK), :]
        d2 = lax.dot_general(z2, c, (((1,), (1,)), ((), ())),
                             preferred_element_type=jnp.float32)
        csq_v = csq_ref[:, pl.ds(k * _KT + v * _CHUNK, _CHUNK)]
        for h in range(_CHUNK // _LANES):
            sl = slice(h * _LANES, (h + 1) * _LANES)
            dv = (zsq - d2[:, sl]) + csq_v[:, sl]
            cf = lane + jnp.float32(k * _KT + v * _CHUNK + h * _LANES)
            upd = dv < rv
            ri = jnp.where(upd, cf, ri)
            rv = jnp.where(upd, dv, rv)
    rv_ref[...] = rv
    ri_ref[...] = ri

    @pl.when(k == _NK - 1)
    def _():
        m = jnp.min(rv, axis=1, keepdims=True)
        li = jnp.min(jnp.where(rv == m, ri, jnp.float32(_K)),
                     axis=1, keepdims=True)
        idx_ref[...] = li.astype(jnp.int32)


def _argmin_indices(z_sq, z2_flat, codebook, c_sq):
    return pl.pallas_call(
        _argmin_body,
        grid=(_NR, _NK),
        in_specs=[
            pl.BlockSpec((_RT, 1), lambda r, k: (r, 0)),
            pl.BlockSpec((_RT, _D), lambda r, k: (r, 0)),
            pl.BlockSpec((_K, _D), lambda r, k: (0, 0)),
            pl.BlockSpec((1, _K), lambda r, k: (0, 0)),
        ],
        out_specs=pl.BlockSpec((_RT, 1), lambda r, k: (r, 0)),
        out_shape=jax.ShapeDtypeStruct((_N, 1), jnp.int32),
        scratch_shapes=[
            pltpu.VMEM((_RT, _LANES), jnp.float32),
            pltpu.VMEM((_RT, _LANES), jnp.float32),
        ],
    )(z_sq, z2_flat, codebook, c_sq)


def _gather_body(table_hbm, idx_hbm, out_hbm, idx_v, rows_v, sem):
    wid = lax.axis_index("s") * _NC + lax.axis_index("c")
    base = wid * _BPW
    for j in range(_CH):
        pltpu.sync_copy(idx_hbm.at[pl.ds(base + j * _CW, _CW)], idx_v.at[j])
    copies = []
    for j in range(_CH):
        copies.append(pltpu.async_copy(
            table_hbm.at[idx_v.at[j]],
            rows_v.at[pl.ds(j * _CW, _CW)],
            sem,
        ))
    for cp in copies:
        cp.wait()
    pltpu.sync_copy(rows_v, out_hbm.at[pl.ds(base, _BPW)])


def _gather_rows(codebook, idx):
    kfn = pl.kernel(
        _gather_body,
        out_type=jax.ShapeDtypeStruct((_N, _D), jnp.float32),
        mesh=plsc.VectorSubcoreMesh(core_axis_name="c", subcore_axis_name="s"),
        scratch_types=[
            pltpu.VMEM((_CH, _CW), jnp.int32),
            pltpu.VMEM((_BPW, _D), jnp.float32),
            pltpu.SemaphoreType.DMA,
        ],
    )
    return kfn(codebook, idx)


def kernel(z_e, codebook):
    z = jnp.transpose(z_e, (0, 2, 1))
    z_flat = z.reshape(-1, z.shape[-1])
    z_sq = jnp.sum(z_flat * z_flat, axis=1, keepdims=True)
    c_sq = jnp.sum(codebook * codebook, axis=1)[None, :]

    idx = _argmin_indices(z_sq, z_flat, codebook, c_sq)
    idx = idx.reshape(_N)

    zq_flat = _gather_rows(codebook, idx)
    z_q = jnp.transpose(zq_flat.reshape(_B, _L, _D), (0, 2, 1))
    return (z_q, idx.reshape(_B, _L))

# --- scband reference (transcript-rebuilt; emitter-appended) ---
"""Pipeline reference for scband-vq1-d-39170101739979 (READ-ONLY COPY).

The authoritative reference and input builder live on the scoring server;
editing this copy changes nothing except your own understanding.
"""

import jax, jax.numpy as jnp
import numpy as np

B, D, L = 8, 256, 576
K = 8192

def setup_inputs(seed: int = 0) -> dict:
    key = jax.random.key(seed)
    k1, k2 = jax.random.split(key)
    z_e = jax.random.normal(k1, (B, D, L), dtype=jnp.float32)
    codebook = jax.random.normal(k2, (K, D), dtype=jnp.float32) * 0.02
    return {"z_e": z_e, "codebook": codebook}

def reference(z_e, codebook):
    # z_e: [B, D, L] channels-first 1D tokens; codebook: [K, D]
    z = jnp.transpose(z_e, (0, 2, 1))            # [B, L, D]
    z_flat = z.reshape(-1, z.shape[-1])           # [B*L, D]
    # squared euclidean distances to every code
    z_sq = jnp.sum(z_flat * z_flat, axis=1, keepdims=True)       # [B*L, 1]
    c_sq = jnp.sum(codebook * codebook, axis=1)[None, :]          # [1, K]
    dots = z_flat @ codebook.T                                    # [B*L, K]
    dists = z_sq - 2.0 * dots + c_sq
    indices = jnp.argmin(dists, axis=1)                           # [B*L]
    z_q = jnp.take(codebook, indices, axis=0)                     # [B*L, D]
    z_q = z_q.reshape(z.shape)                                    # [B, L, D]
    z_q = jnp.transpose(z_q, (0, 2, 1))                           # [B, D, L]
    # code_sg=True -> straight-through estimator (stop grad on code residual)
    z_q_st = z_e + jax.lax.stop_gradient(z_q - z_e)
    indices = indices.reshape(B, L)
    return (z_q_st, indices)

if __name__ == "__main__":
    import jax
    _d = setup_inputs()
    print(jax.jit(kernel)(*tuple(_d.values())))

</pallas_src>

<mosaic_0001>
#map = affine_map<(d0, d1) -> (0, 0)>
#map1 = affine_map<(d0, d1) -> (0)>
module attributes {stable_mosaic.version = 14 : i64} {
  func.func @_gather_body(%arg0: i32, %arg1: i32, %arg2: memref<8192x256xf32, #tpu.memory_space<hbm>>, %arg3: memref<4608xi32, #tpu.memory_space<hbm>>, %arg4: memref<4608x256xf32, #tpu.memory_space<hbm>>, %arg5: memref<2x72xi32, #tpu.memory_space<vmem>>, %arg6: memref<144x256xf32, #tpu.memory_space<vmem>>, %arg7: memref<!tpu.dma_semaphore, #tpu.memory_space<semaphore_mem>>) attributes {dimension_semantics = [#tpu.dimension_semantics<core_parallel>, #tpu.dimension_semantics<subcore_parallel>], iteration_bounds = array<i64: 2, 16>, scalar_prefetch = 0 : i64, scratch_operands = 3 : i64, tpu.core_type = #tpu.core_type<sc_vector_subcore>, window_params = [{transform_indices = #map}, {transform_indices = #map1}, {transform_indices = #map}]} {
    %mul3A = arith.constant 2 : i32
    %mul3A_0 = arith.muli %arg1, %mul3A : i32
    %add3A = arith.addi %mul3A_0, %arg0 : i32
    %mul3A_1 = arith.constant 144 : i32
    %mul3A_2 = arith.muli %add3A, %mul3A_1 : i32
    %add3A_3 = arith.constant 0 : i32
    %add3A_4 = arith.addi %mul3A_2, %add3A_3 : i32
    %run_scoped3A = arith.constant 0 : i32
    "tpu.region"() ({
      %run_scoped3A_46 = tpu.sem_alloc : memref<!tpu.dma_semaphore, #tpu.memory_space<semaphore_mem>>
      %dma_start3A_47 = arith.constant 0 : i32
      %dma_start3A_48 = tpu.memref_slice %arg5[%run_scoped3A, %dma_start3A_47] : memref<2x72xi32, #tpu.memory_space<vmem>> -> memref<1x72xi32, #tpu.memory_space<vmem>>
      %dma_start3A_49 = tpu.memref_squeeze %dma_start3A_48 : memref<1x72xi32, #tpu.memory_space<vmem>> -> memref<72xi32, #tpu.memory_space<vmem>>
      %dma_start3A_50 = tpu.memref_slice %arg3[%add3A_4] : memref<4608xi32, #tpu.memory_space<hbm>> -> memref<72xi32, #tpu.memory_space<hbm>>
      %dma_start3A_51 = arith.constant 0 : i32
      %dma_start3A_52 = tpu.memref_slice %arg5[%run_scoped3A, %dma_start3A_51] : memref<2x72xi32, #tpu.memory_space<vmem>> -> memref<1x72xi32, #tpu.memory_space<vmem>>
      %dma_start3A_53 = tpu.memref_squeeze %dma_start3A_52 : memref<1x72xi32, #tpu.memory_space<vmem>> -> memref<72xi32, #tpu.memory_space<vmem>>
      %dma_start3A_54 = tpu.memref_slice %arg3[%add3A_4] : memref<4608xi32, #tpu.memory_space<hbm>> -> memref<72xi32, #tpu.memory_space<hbm>>
      tpu.enqueue_dma source(%dma_start3A_54 : memref<72xi32, #tpu.memory_space<hbm>>) target(%dma_start3A_53 : memref<72xi32, #tpu.memory_space<vmem>>) target_semaphore(%run_scoped3A_46 : memref<!tpu.dma_semaphore, #tpu.memory_space<semaphore_mem>>)
      %dma_wait3A_55 = arith.constant 0 : i32
      %dma_wait3A_56 = tpu.memref_slice %arg5[%run_scoped3A, %dma_wait3A_55] : memref<2x72xi32, #tpu.memory_space<vmem>> -> memref<1x72xi32, #tpu.memory_space<vmem>>
      %dma_wait3A_57 = tpu.memref_squeeze %dma_wait3A_56 : memref<1x72xi32, #tpu.memory_space<vmem>> -> memref<72xi32, #tpu.memory_space<vmem>>
      %dma_wait3A_58 = tpu.memref_slice %arg3[%add3A_4] : memref<4608xi32, #tpu.memory_space<hbm>> -> memref<72xi32, #tpu.memory_space<hbm>>
      %dma_wait3A_59 = arith.constant 0 : i32
      %dma_wait3A_60 = tpu.memref_slice %arg5[%run_scoped3A, %dma_wait3A_59] : memref<2x72xi32, #tpu.memory_space<vmem>> -> memref<1x72xi32, #tpu.memory_space<vmem>>
      %dma_wait3A_61 = tpu.memref_squeeze %dma_wait3A_60 : memref<1x72xi32, #tpu.memory_space<vmem>> -> memref<72xi32, #tpu.memory_space<vmem>>
      %dma_wait3A_62 = tpu.memref_slice %arg3[%add3A_4] : memref<4608xi32, #tpu.memory_space<hbm>> -> memref<72xi32, #tpu.memory_space<hbm>>
      tpu.wait_dma2 semaphore(%run_scoped3A_46 : memref<!tpu.dma_semaphore, #tpu.memory_space<semaphore_mem>>) src(%dma_wait3A_62 : memref<72xi32, #tpu.memory_space<hbm>>) dst(%dma_wait3A_61 : memref<72xi32, #tpu.memory_space<vmem>>)
      tpu.yield
    }) : () -> ()
    %add3A_5 = arith.constant 72 : i32
    %add3A_6 = arith.addi %mul3A_2, %add3A_5 : i32
    %run_scoped3A_7 = arith.constant 1 : i32
    "tpu.region"() ({
      %run_scoped3A_46 = tpu.sem_alloc : memref<!tpu.dma_semaphore, #tpu.memory_space<semaphore_mem>>
      %dma_start3A_47 = arith.constant 0 : i32
      %dma_start3A_48 = tpu.memref_slice %arg5[%run_scoped3A_7, %dma_start3A_47] : memref<2x72xi32, #tpu.memory_space<vmem>> -> memref<1x72xi32, #tpu.memory_space<vmem>>
      %dma_start3A_49 = tpu.memref_squeeze %dma_start3A_48 : memref<1x72xi32, #tpu.memory_space<vmem>> -> memref<72xi32, #tpu.memory_space<vmem>>
      %dma_start3A_50 = tpu.memref_slice %arg3[%add3A_6] : memref<4608xi32, #tpu.memory_space<hbm>> -> memref<72xi32, #tpu.memory_space<hbm>>
      %dma_start3A_51 = arith.constant 0 : i32
      %dma_start3A_52 = tpu.memref_slice %arg5[%run_scoped3A_7, %dma_start3A_51] : memref<2x72xi32, #tpu.memory_space<vmem>> -> memref<1x72xi32, #tpu.memory_space<vmem>>
      %dma_start3A_53 = tpu.memref_squeeze %dma_start3A_52 : memref<1x72xi32, #tpu.memory_space<vmem>> -> memref<72xi32, #tpu.memory_space<vmem>>
      %dma_start3A_54 = tpu.memref_slice %arg3[%add3A_6] : memref<4608xi32, #tpu.memory_space<hbm>> -> memref<72xi32, #tpu.memory_space<hbm>>
      tpu.enqueue_dma source(%dma_start3A_54 : memref<72xi32, #tpu.memory_space<hbm>>) target(%dma_start3A_53 : memref<72xi32, #tpu.memory_space<vmem>>) target_semaphore(%run_scoped3A_46 : memref<!tpu.dma_semaphore, #tpu.memory_space<semaphore_mem>>)
      %dma_wait3A_55 = arith.constant 0 : i32
      %dma_wait3A_56 = tpu.memref_slice %arg5[%run_scoped3A_7, %dma_wait3A_55] : memref<2x72xi32, #tpu.memory_space<vmem>> -> memref<1x72xi32, #tpu.memory_space<vmem>>
      %dma_wait3A_57 = tpu.memref_squeeze %dma_wait3A_56 : memref<1x72xi32, #tpu.memory_space<vmem>> -> memref<72xi32, #tpu.memory_space<vmem>>
      %dma_wait3A_58 = tpu.memref_slice %arg3[%add3A_6] : memref<4608xi32, #tpu.memory_space<hbm>> -> memref<72xi32, #tpu.memory_space<hbm>>
      %dma_wait3A_59 = arith.constant 0 : i32
      %dma_wait3A_60 = tpu.memref_slice %arg5[%run_scoped3A_7, %dma_wait3A_59] : memref<2x72xi32, #tpu.memory_space<vmem>> -> memref<1x72xi32, #tpu.memory_space<vmem>>
      %dma_wait3A_61 = tpu.memref_squeeze %dma_wait3A_60 : memref<1x72xi32, #tpu.memory_space<vmem>> -> memref<72xi32, #tpu.memory_space<vmem>>
      %dma_wait3A_62 = tpu.memref_slice %arg3[%add3A_6] : memref<4608xi32, #tpu.memory_space<hbm>> -> memref<72xi32, #tpu.memory_space<hbm>>
      tpu.wait_dma2 semaphore(%run_scoped3A_46 : memref<!tpu.dma_semaphore, #tpu.memory_space<semaphore_mem>>) src(%dma_wait3A_62 : memref<72xi32, #tpu.memory_space<hbm>>) dst(%dma_wait3A_61 : memref<72xi32, #tpu.memory_space<vmem>>)
      tpu.yield
    }) : () -> ()
    %dma_start3A = arith.constant 0 : i32
    %dma_start3A_8 = arith.constant 0 : i32
    %dma_start3A_9 = arith.constant 0 : i32
    %dma_start3A_10 = tpu.memref_slice %arg6[%dma_start3A_8, %dma_start3A_9] : memref<144x256xf32, #tpu.memory_space<vmem>> -> memref<72x256xf32, #tpu.memory_space<vmem>>
    %dma_start3A_11 = arith.constant 0 : i32
    %dma_start3A_12 = tpu.memref_slice %arg5[%dma_start3A, %dma_start3A_11] : memref<2x72xi32, #tpu.memory_space<vmem>> -> memref<1x72xi32, #tpu.memory_space<vmem>>
    %dma_start3A_13 = tpu.memref_squeeze %dma_start3A_12 : memref<1x72xi32, #tpu.memory_space<vmem>> -> memref<72xi32, #tpu.memory_space<vmem>>
    %dma_start3A_14 = arith.constant 0 : i32
    %dma_start3A_15 = arith.constant 0 : i32
    %dma_start3A_16 = tpu.memref_slice %arg2[%dma_start3A_14, %dma_start3A_15] : memref<8192x256xf32, #tpu.memory_space<hbm>> -> memref<8192x256xf32, #tpu.memory_space<hbm>>
    tpu.enqueue_indirect_dma source(%dma_start3A_16 : memref<8192x256xf32, #tpu.memory_space<hbm>>) target(%dma_start3A_10 : memref<72x256xf32, #tpu.memory_space<vmem>>) offsets(%dma_start3A_13 : memref<72xi32, #tpu.memory_space<vmem>>) semaphore(%arg7 : memref<!tpu.dma_semaphore, #tpu.memory_space<semaphore_mem>>)
    %dma_start3A_17 = arith.constant 1 : i32
    %dma_start3A_18 = arith.constant 72 : i32
    %dma_start3A_19 = arith.constant 0 : i32
    %dma_start3A_20 = tpu.memref_slice %arg6[%dma_start3A_18, %dma_start3A_19] : memref<144x256xf32, #tpu.memory_space<vmem>> -> memref<72x256xf32, #tpu.memory_space<vmem>>
    %dma_start3A_21 = arith.constant 0 : i32
    %dma_start3A_22 = tpu.memref_slice %arg5[%dma_start3A_17, %dma_start3A_21] : memref<2x72xi32, #tpu.memory_space<vmem>> -> memref<1x72xi32, #tpu.memory_space<vmem>>
    %dma_start3A_23 = tpu.memref_squeeze %dma_start3A_22 : memref<1x72xi32, #tpu.memory_space<vmem>> -> memref<72xi32, #tpu.memory_space<vmem>>
    %dma_start3A_24 = arith.constant 0 : i32
    %dma_start3A_25 = arith.constant 0 : i32
    %dma_start3A_26 = tpu.memref_slice %arg2[%dma_start3A_24, %dma_start3A_25] : memref<8192x256xf32, #tpu.memory_space<hbm>> -> memref<8192x256xf32, #tpu.memory_space<hbm>>
    tpu.enqueue_indirect_dma source(%dma_start3A_26 : memref<8192x256xf32, #tpu.memory_space<hbm>>) target(%dma_start3A_20 : memref<72x256xf32, #tpu.memory_space<vmem>>) offsets(%dma_start3A_23 : memref<72xi32, #tpu.memory_space<vmem>>) semaphore(%arg7 : memref<!tpu.dma_semaphore, #tpu.memory_space<semaphore_mem>>)
    %dma_wait3A = arith.constant 0 : i32
    %dma_wait3A_27 = arith.constant 0 : i32
    %dma_wait3A_28 = arith.constant 0 : i32
    %dma_wait3A_29 = tpu.memref_slice %arg6[%dma_wait3A_27, %dma_wait3A_28] : memref<144x256xf32, #tpu.memory_space<vmem>> -> memref<72x256xf32, #tpu.memory_space<vmem>>
    %dma_wait3A_30 = arith.constant 0 : i32
    %dma_wait3A_31 = tpu.memref_slice %arg5[%dma_wait3A, %dma_wait3A_30] : memref<2x72xi32, #tpu.memory_space<vmem>> -> memref<1x72xi32, #tpu.memory_space<vmem>>
    %dma_wait3A_32 = tpu.memref_squeeze %dma_wait3A_31 : memref<1x72xi32, #tpu.memory_space<vmem>> -> memref<72xi32, #tpu.memory_space<vmem>>
    %dma_wait3A_33 = arith.constant 0 : i32
    %dma_wait3A_34 = arith.constant 0 : i32
    %dma_wait3A_35 = tpu.memref_slice %arg2[%dma_wait3A_33, %dma_wait3A_34] : memref<8192x256xf32, #tpu.memory_space<hbm>> -> memref<8192x256xf32, #tpu.memory_space<hbm>>
    tpu.wait_indirect_dma semaphore(%arg7 : memref<!tpu.dma_semaphore, #tpu.memory_space<semaphore_mem>>) src(%dma_wait3A_35 : memref<8192x256xf32, #tpu.memory_space<hbm>>) dst(%dma_wait3A_29 : memref<72x256xf32, #tpu.memory_space<vmem>>)
    %dma_wait3A_36 = arith.constant 1 : i32
    %dma_wait3A_37 = arith.constant 72 : i32
    %dma_wait3A_38 = arith.constant 0 : i32
    %dma_wait3A_39 = tpu.memref_slice %arg6[%dma_wait3A_37, %dma_wait3A_38] : memref<144x256xf32, #tpu.memory_space<vmem>> -> memref<72x256xf32, #tpu.memory_space<vmem>>
    %dma_wait3A_40 = arith.constant 0 : i32
    %dma_wait3A_41 = tpu.memref_slice %arg5[%dma_wait3A_36, %dma_wait3A_40] : memref<2x72xi32, #tpu.memory_space<vmem>> -> memref<1x72xi32, #tpu.memory_space<vmem>>
    %dma_wait3A_42 = tpu.memref_squeeze %dma_wait3A_41 : memref<1x72xi32, #tpu.memory_space<vmem>> -> memref<72xi32, #tpu.memory_space<vmem>>
    %dma_wait3A_43 = arith.constant 0 : i32
    %dma_wait3A_44 = arith.constant 0 : i32
    %dma_wait3A_45 = tpu.memref_slice %arg2[%dma_wait3A_43, %dma_wait3A_44] : memref<8192x256xf32, #tpu.memory_space<hbm>> -> memref<8192x256xf32, #tpu.memory_space<hbm>>
    tpu.wait_indirect_dma semaphore(%arg7 : memref<!tpu.dma_semaphore, #tpu.memory_space<semaphore_mem>>) src(%dma_wait3A_45 : memref<8192x256xf32, #tpu.memory_space<hbm>>) dst(%dma_wait3A_39 : memref<72x256xf32, #tpu.memory_space<vmem>>)
    "tpu.region"() ({
      %run_scoped3A_46 = tpu.sem_alloc : memref<!tpu.dma_semaphore, #tpu.memory_space<semaphore_mem>>
      %dma_start3A_47 = arith.constant 0 : i32
      %dma_start3A_48 = tpu.memref_slice %arg4[%mul3A_2, %dma_start3A_47] : memref<4608x256xf32, #tpu.memory_space<hbm>> -> memref<144x256xf32, #tpu.memory_space<hbm>>
      %dma_start3A_49 = arith.constant 0 : i32
      %dma_start3A_50 = tpu.memref_slice %arg4[%mul3A_2, %dma_start3A_49] : memref<4608x256xf32, #tpu.memory_space<hbm>> -> memref<144x256xf32, #tpu.memory_space<hbm>>
      tpu.enqueue_dma source(%arg6 : memref<144x256xf32, #tpu.memory_space<vmem>>) target(%dma_start3A_50 : memref<144x256xf32, #tpu.memory_space<hbm>>) target_semaphore(%run_scoped3A_46 : memref<!tpu.dma_semaphore, #tpu.memory_space<semaphore_mem>>)
      %dma_wait3A_51 = arith.constant 0 : i32
      %dma_wait3A_52 = tpu.memref_slice %arg4[%mul3A_2, %dma_wait3A_51] : memref<4608x256xf32, #tpu.memory_space<hbm>> -> memref<144x256xf32, #tpu.memory_space<hbm>>
      %dma_wait3A_53 = arith.constant 0 : i32
      %dma_wait3A_54 = tpu.memref_slice %arg4[%mul3A_2, %dma_wait3A_53] : memref<4608x256xf32, #tpu.memory_space<hbm>> -> memref<144x256xf32, #tpu.memory_space<hbm>>
      tpu.wait_dma2 semaphore(%run_scoped3A_46 : memref<!tpu.dma_semaphore, #tpu.memory_space<semaphore_mem>>) src(%arg6 : memref<144x256xf32, #tpu.memory_space<vmem>>) dst(%dma_wait3A_54 : memref<144x256xf32, #tpu.memory_space<hbm>>)
      tpu.yield
    }) : () -> ()
    return
  }
}

module attributes {stable_mosaic.version = 14 : i64} {
  func.func @_argmin_body(%arg0: i32, %arg1: i32, %arg2: memref<4608x1xf32, #tpu.memory_space<vmem>>, %arg3: memref<4608x256xf32, #tpu.memory_space<vmem>>, %arg4: memref<8192x256xf32, #tpu.memory_space<vmem>>, %arg5: memref<1x8192xf32, #tpu.memory_space<vmem>>, %arg6: memref<4608x1xi32, #tpu.memory_space<vmem>>, %arg7: memref<4608x128xf32, #tpu.memory_space<vmem>>, %arg8: memref<4608x128xf32, #tpu.memory_space<vmem>>) attributes {dimension_semantics = [#tpu.dimension_semantics<arbitrary>, #tpu.dimension_semantics<arbitrary>], iteration_bounds = array<i64: 1, 4>, scalar_prefetch = 0 : i64, scratch_operands = 2 : i64, tpu.core_type = #tpu.core_type<tc>, window_params = [{transform_indices = @transform_0, window_bounds = array<i64: 4608, 1>}, {transform_indices = @transform_1, window_bounds = array<i64: 4608, 256>}, {pipeline_mode = #tpu.pipeline_mode<synchronous>, transform_indices = @transform_2, window_bounds = array<i64: 8192, 256>}, {pipeline_mode = #tpu.pipeline_mode<synchronous>, transform_indices = @transform_3, window_bounds = array<i64: 1, 8192>}, {transform_indices = @transform_4, window_bounds = array<i64: 4608, 1>}]} {
    %eq3A = arith.constant 0 : i32
    %eq3A_0 = arith.cmpi eq, %arg1, %eq3A : i32
    %convert_element_type3A = arith.extui %eq3A_0 : i1 to i32
    %cond3A = arith.constant 0 : i32
    %cond3A_1 = arith.cmpi ne, %convert_element_type3A, %cond3A : i32
    scf.if %cond3A_1 {
      %broadcast_in_dim3A = arith.constant 0x7F800000 : f32
      %broadcast_in_dim3A_372 = vector.broadcast %broadcast_in_dim3A : f32 to vector<4608x128xf32>
      %swap3A_373 = arith.constant 0 : index
      %swap3A_374 = arith.constant 0 : index
      %swap3A_375 = vector.load %arg7[%swap3A_373, %swap3A_374] : memref<4608x128xf32, #tpu.memory_space<vmem>>, vector<4608x128xf32>
      tpu.vector_store %arg7[%swap3A_373, %swap3A_374], %broadcast_in_dim3A_372 {strides = array<i32>} : memref<4608x128xf32, #tpu.memory_space<vmem>>, vector<4608x128xf32>,
      %broadcast_in_dim3A_376 = arith.constant 0.000000e+00 : f32
      %broadcast_in_dim3A_377 = vector.broadcast %broadcast_in_dim3A_376 : f32 to vector<4608x128xf32>
      %swap3A_378 = arith.constant 0 : index
      %swap3A_379 = arith.constant 0 : index
      %swap3A_380 = vector.load %arg8[%swap3A_378, %swap3A_379] : memref<4608x128xf32, #tpu.memory_space<vmem>>, vector<4608x128xf32>
      tpu.vector_store %arg8[%swap3A_378, %swap3A_379], %broadcast_in_dim3A_377 {strides = array<i32>} : memref<4608x128xf32, #tpu.memory_space<vmem>>, vector<4608x128xf32>,
    } else {
    }
    %get3A = arith.constant 0 : index
    %get3A_2 = arith.constant 0 : index
    %get3A_3 = vector.load %arg3[%get3A, %get3A_2] : memref<4608x256xf32, #tpu.memory_space<vmem>>, vector<4608x256xf32>
    %mul3A = arith.constant 2.000000e+00 : f32
    %mul3A_4 = vector.broadcast %mul3A : f32 to vector<4608x256xf32>
    %mul3A_5 = arith.mulf %get3A_3, %mul3A_4 : vector<4608x256xf32>
    %get3A_6 = arith.constant 0 : index
    %get3A_7 = arith.constant 0 : index
    %get3A_8 = vector.load %arg2[%get3A_6, %get3A_7] : memref<4608x1xf32, #tpu.memory_space<vmem>>, vector<4608x1xf32>
    %iota3A = tpu.iota {dimensions = array<i32: 1>} : vector<4608x128xi32>
    %convert_element_type3A_9 = arith.sitofp %iota3A : vector<4608x128xi32> to vector<4608x128xf32>
    %get3A_10 = arith.constant 0 : index
    %get3A_11 = arith.constant 0 : index
    %get3A_12 = vector.load %arg7[%get3A_10, %get3A_11] : memref<4608x128xf32, #tpu.memory_space<vmem>>, vector<4608x128xf32>
    %get3A_13 = arith.constant 0 : index
    %get3A_14 = arith.constant 0 : index
    %get3A_15 = vector.load %arg8[%get3A_13, %get3A_14] : memref<4608x128xf32, #tpu.memory_space<vmem>>, vector<4608x128xf32>
    %mul3A_16 = arith.constant 2048 : i32
    %mul3A_17 = arith.muli %arg1, %mul3A_16 : i32
    %add3A = arith.constant 0 : i32
    %add3A_18 = arith.addi %mul3A_17, %add3A : i32
    %get3A_19 = arith.index_cast %add3A_18 : i32 to index
    %get3A_20 = arith.constant 0 : index
    %get3A_21 = vector.load %arg4[%get3A_19, %get3A_20] : memref<8192x256xf32, #tpu.memory_space<vmem>>, vector<512x256xf32>
    %dot_general3A = arith.constant dense<0.000000e+00> : vector<4608x512xf32>
    %dot_general3A_22 = tpu.matmul %mul3A_5, %get3A_21, %dot_general3A {dimension_numbers = #tpu.dot_dimension_numbers<[1], [1], [0], [0], [0, 0, 1, 0], [], []>, transpose_lhs_hint = false} : vector<4608x256xf32>, vector<512x256xf32>, vector<4608x512xf32> -> vector<4608x512xf32>
    %mul3A_23 = arith.constant 2048 : i32
    %mul3A_24 = arith.muli %arg1, %mul3A_23 : i32
    %add3A_25 = arith.constant 0 : i32
    %add3A_26 = arith.addi %mul3A_24, %add3A_25 : i32
    %get3A_27 = arith.constant 0 : index
    %get3A_28 = arith.index_cast %add3A_26 : i32 to index
    %get3A_29 = vector.load %arg5[%get3A_27, %get3A_28] : memref<1x8192xf32, #tpu.memory_space<vmem>>, vector<1x512xf32>
    %slice3A = vector.extract_strided_slice %dot_general3A_22 {offsets = [0, 0], sizes = [4608, 128], strides = [1, 1]} : vector<4608x512xf32> to vector<4608x128xf32>
    %sub3A = vector.broadcast %get3A_8 : vector<4608x1xf32> to vector<4608x128xf32>
    %sub3A_30 = arith.subf %sub3A, %slice3A : vector<4608x128xf32>
    %slice3A_31 = vector.extract_strided_slice %get3A_29 {offsets = [0, 0], sizes = [1, 128], strides = [1, 1]} : vector<1x512xf32> to vector<1x128xf32>
    %add3A_32 = vector.broadcast %slice3A_31 : vector<1x128xf32> to vector<4608x128xf32>
    %add3A_33 = arith.addf %sub3A_30, %add3A_32 : vector<4608x128xf32>
    %mul3A_34 = arith.constant 2048 : i32
    %mul3A_35 = arith.muli %arg1, %mul3A_34 : i32
    %add3A_36 = arith.constant 0 : i32
    %add3A_37 = arith.addi %mul3A_35, %add3A_36 : i32
    %add3A_38 = arith.constant 0 : i32
    %add3A_39 = arith.addi %add3A_37, %add3A_38 : i32
    %convert_element_type3A_40 = arith.sitofp %add3A_39 : i32 to f32
    %add3A_41 = vector.broadcast %convert_element_type3A_40 : f32 to vector<4608x128xf32>
    %add3A_42 = arith.addf %convert_element_type3A_9, %add3A_41 : vector<4608x128xf32>
    %lt3A = arith.cmpf olt, %add3A_33, %get3A_12 : vector<4608x128xf32>
    %select_n3A = arith.select %lt3A, %add3A_42, %get3A_15 : vector<4608x128xi1>, vector<4608x128xf32>
    %select_n3A_43 = arith.select %lt3A, %add3A_33, %get3A_12 : vector<4608x128xi1>, vector<4608x128xf32>
    %slice3A_44 = vector.extract_strided_slice %dot_general3A_22 {offsets = [0, 128], sizes = [4608, 128], strides = [1, 1]} : vector<4608x512xf32> to vector<4608x128xf32>
    %sub3A_45 = vector.broadcast %get3A_8 : vector<4608x1xf32> to vector<4608x128xf32>
    %sub3A_46 = arith.subf %sub3A_45, %slice3A_44 : vector<4608x128xf32>
    %slice3A_47 = vector.extract_strided_slice %get3A_29 {offsets = [0, 128], sizes = [1, 128], strides = [1, 1]} : vector<1x512xf32> to vector<1x128xf32>
    %add3A_48 = vector.broadcast %slice3A_47 : vector<1x128xf32> to vector<4608x128xf32>
    %add3A_49 = arith.addf %sub3A_46, %add3A_48 : vector<4608x128xf32>
    %mul3A_50 = arith.constant 2048 : i32
    %mul3A_51 = arith.muli %arg1, %mul3A_50 : i32
    %add3A_52 = arith.constant 0 : i32
    %add3A_53 = arith.addi %mul3A_51, %add3A_52 : i32
    %add3A_54 = arith.constant 128 : i32
    %add3A_55 = arith.addi %add3A_53, %add3A_54 : i32
    %convert_element_type3A_56 = arith.sitofp %add3A_55 : i32 to f32
    %add3A_57 = vector.broadcast %convert_element_type3A_56 : f32 to vector<4608x128xf32>
    %add3A_58 = arith.addf %convert_element_type3A_9, %add3A_57 : vector<4608x128xf32>
    %lt3A_59 = arith.cmpf olt, %add3A_49, %select_n3A_43 : vector<4608x128xf32>
    %select_n3A_60 = arith.select %lt3A_59, %add3A_58, %select_n3A : vector<4608x128xi1>, vector<4608x128xf32>
    %select_n3A_61 = arith.select %lt3A_59, %add3A_49, %select_n3A_43 : vector<4608x128xi1>, vector<4608x128xf32>
    %slice3A_62 = vector.extract_strided_slice %dot_general3A_22 {offsets = [0, 256], sizes = [4608, 128], strides = [1, 1]} : vector<4608x512xf32> to vector<4608x128xf32>
    %sub3A_63 = vector.broadcast %get3A_8 : vector<4608x1xf32> to vector<4608x128xf32>
    %sub3A_64 = arith.subf %sub3A_63, %slice3A_62 : vector<4608x128xf32>
    %slice3A_65 = vector.extract_strided_slice %get3A_29 {offsets = [0, 256], sizes = [1, 128], strides = [1, 1]} : vector<1x512xf32> to vector<1x128xf32>
    %add3A_66 = vector.broadcast %slice3A_65 : vector<1x128xf32> to vector<4608x128xf32>
    %add3A_67 = arith.addf %sub3A_64, %add3A_66 : vector<4608x128xf32>
    %mul3A_68 = arith.constant 2048 : i32
    %mul3A_69 = arith.muli %arg1, %mul3A_68 : i32
    %add3A_70 = arith.constant 0 : i32
    %add3A_71 = arith.addi %mul3A_69, %add3A_70 : i32
    %add3A_72 = arith.constant 256 : i32
    %add3A_73 = arith.addi %add3A_71, %add3A_72 : i32
    %convert_element_type3A_74 = arith.sitofp %add3A_73 : i32 to f32
    %add3A_75 = vector.broadcast %convert_element_type3A_74 : f32 to vector<4608x128xf32>
    %add3A_76 = arith.addf %convert_element_type3A_9, %add3A_75 : vector<4608x128xf32>
    %lt3A_77 = arith.cmpf olt, %add3A_67, %select_n3A_61 : vector<4608x128xf32>
    %select_n3A_78 = arith.select %lt3A_77, %add3A_76, %select_n3A_60 : vector<4608x128xi1>, vector<4608x128xf32>
    %select_n3A_79 = arith.select %lt3A_77, %add3A_67, %select_n3A_61 : vector<4608x128xi1>, vector<4608x128xf32>
    %slice3A_80 = vector.extract_strided_slice %dot_general3A_22 {offsets = [0, 384], sizes = [4608, 128], strides = [1, 1]} : vector<4608x512xf32> to vector<4608x128xf32>
    %sub3A_81 = vector.broadcast %get3A_8 : vector<4608x1xf32> to vector<4608x128xf32>
    %sub3A_82 = arith.subf %sub3A_81, %slice3A_80 : vector<4608x128xf32>
    %slice3A_83 = vector.extract_strided_slice %get3A_29 {offsets = [0, 384], sizes = [1, 128], strides = [1, 1]} : vector<1x512xf32> to vector<1x128xf32>
    %add3A_84 = vector.broadcast %slice3A_83 : vector<1x128xf32> to vector<4608x128xf32>
    %add3A_85 = arith.addf %sub3A_82, %add3A_84 : vector<4608x128xf32>
    %mul3A_86 = arith.constant 2048 : i32
    %mul3A_87 = arith.muli %arg1, %mul3A_86 : i32
    %add3A_88 = arith.constant 0 : i32
    %add3A_89 = arith.addi %mul3A_87, %add3A_88 : i32
    %add3A_90 = arith.constant 384 : i32
    %add3A_91 = arith.addi %add3A_89, %add3A_90 : i32
    %convert_element_type3A_92 = arith.sitofp %add3A_91 : i32 to f32
    %add3A_93 = vector.broadcast %convert_element_type3A_92 : f32 to vector<4608x128xf32>
    %add3A_94 = arith.addf %convert_element_type3A_9, %add3A_93 : vector<4608x128xf32>
    %lt3A_95 = arith.cmpf olt, %add3A_85, %select_n3A_79 : vector<4608x128xf32>
    %select_n3A_96 = arith.select %lt3A_95, %add3A_94, %select_n3A_78 : vector<4608x128xi1>, vector<4608x128xf32>
    %select_n3A_97 = arith.select %lt3A_95, %add3A_85, %select_n3A_79 : vector<4608x128xi1>, vector<4608x128xf32>
    %mul3A_98 = arith.constant 2048 : i32
    %mul3A_99 = arith.muli %arg1, %mul3A_98 : i32
    %add3A_100 = arith.constant 512 : i32
    %add3A_101 = arith.addi %mul3A_99, %add3A_100 : i32
    %get3A_102 = arith.index_cast %add3A_101 : i32 to index
    %get3A_103 = arith.constant 0 : index
    %get3A_104 = vector.load %arg4[%get3A_102, %get3A_103] : memref<8192x256xf32, #tpu.memory_space<vmem>>, vector<512x256xf32>
    %dot_general3A_105 = arith.constant dense<0.000000e+00> : vector<4608x512xf32>
    %dot_general3A_106 = tpu.matmul %mul3A_5, %get3A_104, %dot_general3A_105 {dimension_numbers = #tpu.dot_dimension_numbers<[1], [1], [0], [0], [0, 0, 1, 0], [], []>, transpose_lhs_hint = false} : vector<4608x256xf32>, vector<512x256xf32>, vector<4608x512xf32> -> vector<4608x512xf32>
    %mul3A_107 = arith.constant 2048 : i32
    %mul3A_108 = arith.muli %arg1, %mul3A_107 : i32
    %add3A_109 = arith.constant 512 : i32
    %add3A_110 = arith.addi %mul3A_108, %add3A_109 : i32
    %get3A_111 = arith.constant 0 : index
    %get3A_112 = arith.index_cast %add3A_110 : i32 to index
    %get3A_113 = vector.load %arg5[%get3A_111, %get3A_112] : memref<1x8192xf32, #tpu.memory_space<vmem>>, vector<1x512xf32>
    %slice3A_114 = vector.extract_strided_slice %dot_general3A_106 {offsets = [0, 0], sizes = [4608, 128], strides = [1, 1]} : vector<4608x512xf32> to vector<4608x128xf32>
    %sub3A_115 = vector.broadcast %get3A_8 : vector<4608x1xf32> to vector<4608x128xf32>
    %sub3A_116 = arith.subf %sub3A_115, %slice3A_114 : vector<4608x128xf32>
    %slice3A_117 = vector.extract_strided_slice %get3A_113 {offsets = [0, 0], sizes = [1, 128], strides = [1, 1]} : vector<1x512xf32> to vector<1x128xf32>
    %add3A_118 = vector.broadcast %slice3A_117 : vector<1x128xf32> to vector<4608x128xf32>
    %add3A_119 = arith.addf %sub3A_116, %add3A_118 : vector<4608x128xf32>
    %mul3A_120 = arith.constant 2048 : i32
    %mul3A_121 = arith.muli %arg1, %mul3A_120 : i32
    %add3A_122 = arith.constant 512 : i32
    %add3A_123 = arith.addi %mul3A_121, %add3A_122 : i32
    %add3A_124 = arith.constant 0 : i32
    %add3A_125 = arith.addi %add3A_123, %add3A_124 : i32
    %convert_element_type3A_126 = arith.sitofp %add3A_125 : i32 to f32
    %add3A_127 = vector.broadcast %convert_element_type3A_126 : f32 to vector<4608x128xf32>
    %add3A_128 = arith.addf %convert_element_type3A_9, %add3A_127 : vector<4608x128xf32>
    %lt3A_129 = arith.cmpf olt, %add3A_119, %select_n3A_97 : vector<4608x128xf32>
    %select_n3A_130 = arith.select %lt3A_129, %add3A_128, %select_n3A_96 : vector<4608x128xi1>, vector<4608x128xf32>
    %select_n3A_131 = arith.select %lt3A_129, %add3A_119, %select_n3A_97 : vector<4608x128xi1>, vector<4608x128xf32>
    %slice3A_132 = vector.extract_strided_slice %dot_general3A_106 {offsets = [0, 128], sizes = [4608, 128], strides = [1, 1]} : vector<4608x512xf32> to vector<4608x128xf32>
    %sub3A_133 = vector.broadcast %get3A_8 : vector<4608x1xf32> to vector<4608x128xf32>
    %sub3A_134 = arith.subf %sub3A_133, %slice3A_132 : vector<4608x128xf32>
    %slice3A_135 = vector.extract_strided_slice %get3A_113 {offsets = [0, 128], sizes = [1, 128], strides = [1, 1]} : vector<1x512xf32> to vector<1x128xf32>
    %add3A_136 = vector.broadcast %slice3A_135 : vector<1x128xf32> to vector<4608x128xf32>
    %add3A_137 = arith.addf %sub3A_134, %add3A_136 : vector<4608x128xf32>
    %mul3A_138 = arith.constant 2048 : i32
    %mul3A_139 = arith.muli %arg1, %mul3A_138 : i32
    %add3A_140 = arith.constant 512 : i32
    %add3A_141 = arith.addi %mul3A_139, %add3A_140 : i32
    %add3A_142 = arith.constant 128 : i32
    %add3A_143 = arith.addi %add3A_141, %add3A_142 : i32
    %convert_element_type3A_144 = arith.sitofp %add3A_143 : i32 to f32
    %add3A_145 = vector.broadcast %convert_element_type3A_144 : f32 to vector<4608x128xf32>
    %add3A_146 = arith.addf %convert_element_type3A_9, %add3A_145 : vector<4608x128xf32>
    %lt3A_147 = arith.cmpf olt, %add3A_137, %select_n3A_131 : vector<4608x128xf32>
    %select_n3A_148 = arith.select %lt3A_147, %add3A_146, %select_n3A_130 : vector<4608x128xi1>, vector<4608x128xf32>
    %select_n3A_149 = arith.select %lt3A_147, %add3A_137, %select_n3A_131 : vector<4608x128xi1>, vector<4608x128xf32>
    %slice3A_150 = vector.extract_strided_slice %dot_general3A_106 {offsets = [0, 256], sizes = [4608, 128], strides = [1, 1]} : vector<4608x512xf32> to vector<4608x128xf32>
    %sub3A_151 = vector.broadcast %get3A_8 : vector<4608x1xf32> to vector<4608x128xf32>
    %sub3A_152 = arith.subf %sub3A_151, %slice3A_150 : vector<4608x128xf32>
    %slice3A_153 = vector.extract_strided_slice %get3A_113 {offsets = [0, 256], sizes = [1, 128], strides = [1, 1]} : vector<1x512xf32> to vector<1x128xf32>
    %add3A_154 = vector.broadcast %slice3A_153 : vector<1x128xf32> to vector<4608x128xf32>
    %add3A_155 = arith.addf %sub3A_152, %add3A_154 : vector<4608x128xf32>
    %mul3A_156 = arith.constant 2048 : i32
    %mul3A_157 = arith.muli %arg1, %mul3A_156 : i32
    %add3A_158 = arith.constant 512 : i32
    %add3A_159 = arith.addi %mul3A_157, %add3A_158 : i32
    %add3A_160 = arith.constant 256 : i32
    %add3A_161 = arith.addi %add3A_159, %add3A_160 : i32
    %convert_element_type3A_162 = arith.sitofp %add3A_161 : i32 to f32
    %add3A_163 = vector.broadcast %convert_element_type3A_162 : f32 to vector<4608x128xf32>
    %add3A_164 = arith.addf %convert_element_type3A_9, %add3A_163 : vector<4608x128xf32>
    %lt3A_165 = arith.cmpf olt, %add3A_155, %select_n3A_149 : vector<4608x128xf32>
    %select_n3A_166 = arith.select %lt3A_165, %add3A_164, %select_n3A_148 : vector<4608x128xi1>, vector<4608x128xf32>
    %select_n3A_167 = arith.select %lt3A_165, %add3A_155, %select_n3A_149 : vector<4608x128xi1>, vector<4608x128xf32>
    %slice3A_168 = vector.extract_strided_slice %dot_general3A_106 {offsets = [0, 384], sizes = [4608, 128], strides = [1, 1]} : vector<4608x512xf32> to vector<4608x128xf32>
    %sub3A_169 = vector.broadcast %get3A_8 : vector<4608x1xf32> to vector<4608x128xf32>
    %sub3A_170 = arith.subf %sub3A_169, %slice3A_168 : vector<4608x128xf32>
    %slice3A_171 = vector.extract_strided_slice %get3A_113 {offsets = [0, 384], sizes = [1, 128], strides = [1, 1]} : vector<1x512xf32> to vector<1x128xf32>
    %add3A_172 = vector.broadcast %slice3A_171 : vector<1x128xf32> to vector<4608x128xf32>
    %add3A_173 = arith.addf %sub3A_170, %add3A_172 : vector<4608x128xf32>
    %mul3A_174 = arith.constant 2048 : i32
    %mul3A_175 = arith.muli %arg1, %mul3A_174 : i32
    %add3A_176 = arith.constant 512 : i32
    %add3A_177 = arith.addi %mul3A_175, %add3A_176 : i32
    %add3A_178 = arith.constant 384 : i32
    %add3A_179 = arith.addi %add3A_177, %add3A_178 : i32
    %convert_element_type3A_180 = arith.sitofp %add3A_179 : i32 to f32
    %add3A_181 = vector.broadcast %convert_element_type3A_180 : f32 to vector<4608x128xf32>
    %add3A_182 = arith.addf %convert_element_type3A_9, %add3A_181 : vector<4608x128xf32>
    %lt3A_183 = arith.cmpf olt, %add3A_173, %select_n3A_167 : vector<4608x128xf32>
    %select_n3A_184 = arith.select %lt3A_183, %add3A_182, %select_n3A_166 : vector<4608x128xi1>, vector<4608x128xf32>
    %select_n3A_185 = arith.select %lt3A_183, %add3A_173, %select_n3A_167 : vector<4608x128xi1>, vector<4608x128xf32>
    %mul3A_186 = arith.constant 2048 : i32
    %mul3A_187 = arith.muli %arg1, %mul3A_186 : i32
    %add3A_188 = arith.constant 1024 : i32
    %add3A_189 = arith.addi %mul3A_187, %add3A_188 : i32
    %get3A_190 = arith.index_cast %add3A_189 : i32 to index
    %get3A_191 = arith.constant 0 : index
    %get3A_192 = vector.load %arg4[%get3A_190, %get3A_191] : memref<8192x256xf32, #tpu.memory_space<vmem>>, vector<512x256xf32>
    %dot_general3A_193 = arith.constant dense<0.000000e+00> : vector<4608x512xf32>
    %dot_general3A_194 = tpu.matmul %mul3A_5, %get3A_192, %dot_general3A_193 {dimension_numbers = #tpu.dot_dimension_numbers<[1], [1], [0], [0], [0, 0, 1, 0], [], []>, transpose_lhs_hint = false} : vector<4608x256xf32>, vector<512x256xf32>, vector<4608x512xf32> -> vector<4608x512xf32>
    %mul3A_195 = arith.constant 2048 : i32
    %mul3A_196 = arith.muli %arg1, %mul3A_195 : i32
    %add3A_197 = arith.constant 1024 : i32
    %add3A_198 = arith.addi %mul3A_196, %add3A_197 : i32
    %get3A_199 = arith.constant 0 : index
    %get3A_200 = arith.index_cast %add3A_198 : i32 to index
    %get3A_201 = vector.load %arg5[%get3A_199, %get3A_200] : memref<1x8192xf32, #tpu.memory_space<vmem>>, vector<1x512xf32>
    %slice3A_202 = vector.extract_strided_slice %dot_general3A_194 {offsets = [0, 0], sizes = [4608, 128], strides = [1, 1]} : vector<4608x512xf32> to vector<4608x128xf32>
    %sub3A_203 = vector.broadcast %get3A_8 : vector<4608x1xf32> to vector<4608x128xf32>
    %sub3A_204 = arith.subf %sub3A_203, %slice3A_202 : vector<4608x128xf32>
    %slice3A_205 = vector.extract_strided_slice %get3A_201 {offsets = [0, 0], sizes = [1, 128], strides = [1, 1]} : vector<1x512xf32> to vector<1x128xf32>
    %add3A_206 = vector.broadcast %slice3A_205 : vector<1x128xf32> to vector<4608x128xf32>
    %add3A_207 = arith.addf %sub3A_204, %add3A_206 : vector<4608x128xf32>
    %mul3A_208 = arith.constant 2048 : i32
    %mul3A_209 = arith.muli %arg1, %mul3A_208 : i32
    %add3A_210 = arith.constant 1024 : i32
    %add3A_211 = arith.addi %mul3A_209, %add3A_210 : i32
    %add3A_212 = arith.constant 0 : i32
    %add3A_213 = arith.addi %add3A_211, %add3A_212 : i32
    %convert_element_type3A_214 = arith.sitofp %add3A_213 : i32 to f32
    %add3A_215 = vector.broadcast %convert_element_type3A_214 : f32 to vector<4608x128xf32>
    %add3A_216 = arith.addf %convert_element_type3A_9, %add3A_215 : vector<4608x128xf32>
    %lt3A_217 = arith.cmpf olt, %add3A_207, %select_n3A_185 : vector<4608x128xf32>
    %select_n3A_218 = arith.select %lt3A_217, %add3A_216, %select_n3A_184 : vector<4608x128xi1>, vector<4608x128xf32>
    %select_n3A_219 = arith.select %lt3A_217, %add3A_207, %select_n3A_185 : vector<4608x128xi1>, vector<4608x128xf32>
    %slice3A_220 = vector.extract_strided_slice %dot_general3A_194 {offsets = [0, 128], sizes = [4608, 128], strides = [1, 1]} : vector<4608x512xf32> to vector<4608x128xf32>
    %sub3A_221 = vector.broadcast %get3A_8 : vector<4608x1xf32> to vector<4608x128xf32>
    %sub3A_222 = arith.subf %sub3A_221, %slice3A_220 : vector<4608x128xf32>
    %slice3A_223 = vector.extract_strided_slice %get3A_201 {offsets = [0, 128], sizes = [1, 128], strides = [1, 1]} : vector<1x512xf32> to vector<1x128xf32>
    %add3A_224 = vector.broadcast %slice3A_223 : vector<1x128xf32> to vector<4608x128xf32>
    %add3A_225 = arith.addf %sub3A_222, %add3A_224 : vector<4608x128xf32>
    %mul3A_226 = arith.constant 2048 : i32
    %mul3A_227 = arith.muli %arg1, %mul3A_226 : i32
    %add3A_228 = arith.constant 1024 : i32
    %add3A_229 = arith.addi %mul3A_227, %add3A_228 : i32
    %add3A_230 = arith.constant 128 : i32
    %add3A_231 = arith.addi %add3A_229, %add3A_230 : i32
    %convert_element_type3A_232 = arith.sitofp %add3A_231 : i32 to f32
    %add3A_233 = vector.broadcast %convert_element_type3A_232 : f32 to vector<4608x128xf32>
    %add3A_234 = arith.addf %convert_element_type3A_9, %add3A_233 : vector<4608x128xf32>
    %lt3A_235 = arith.cmpf olt, %add3A_225, %select_n3A_219 : vector<4608x128xf32>
    %select_n3A_236 = arith.select %lt3A_235, %add3A_234, %select_n3A_218 : vector<4608x128xi1>, vector<4608x128xf32>
    %select_n3A_237 = arith.select %lt3A_235, %add3A_225, %select_n3A_219 : vector<4608x128xi1>, vector<4608x128xf32>
    %slice3A_238 = vector.extract_strided_slice %dot_general3A_194 {offsets = [0, 256], sizes = [4608, 128], strides = [1, 1]} : vector<4608x512xf32> to vector<4608x128xf32>
    %sub3A_239 = vector.broadcast %get3A_8 : vector<4608x1xf32> to vector<4608x128xf32>
    %sub3A_240 = arith.subf %sub3A_239, %slice3A_238 : vector<4608x128xf32>
    %slice3A_241 = vector.extract_strided_slice %get3A_201 {offsets = [0, 256], sizes = [1, 128], strides = [1, 1]} : vector<1x512xf32> to vector<1x128xf32>
    %add3A_242 = vector.broadcast %slice3A_241 : vector<1x128xf32> to vector<4608x128xf32>
    %add3A_243 = arith.addf %sub3A_240, %add3A_242 : vector<4608x128xf32>
    %mul3A_244 = arith.constant 2048 : i32
    %mul3A_245 = arith.muli %arg1, %mul3A_244 : i32
    %add3A_246 = arith.constant 1024 : i32
    %add3A_247 = arith.addi %mul3A_245, %add3A_246 : i32
    %add3A_248 = arith.constant 256 : i32
    %add3A_249 = arith.addi %add3A_247, %add3A_248 : i32
    %convert_element_type3A_250 = arith.sitofp %add3A_249 : i32 to f32
    %add3A_251 = vector.broadcast %convert_element_type3A_250 : f32 to vector<4608x128xf32>
    %add3A_252 = arith.addf %convert_element_type3A_9, %add3A_251 : vector<4608x128xf32>
    %lt3A_253 = arith.cmpf olt, %add3A_243, %select_n3A_237 : vector<4608x128xf32>
    %select_n3A_254 = arith.select %lt3A_253, %add3A_252, %select_n3A_236 : vector<4608x128xi1>, vector<4608x128xf32>
    %select_n3A_255 = arith.select %lt3A_253, %add3A_243, %select_n3A_237 : vector<4608x128xi1>, vector<4608x128xf32>
    %slice3A_256 = vector.extract_strided_slice %dot_general3A_194 {offsets = [0, 384], sizes = [4608, 128], strides = [1, 1]} : vector<4608x512xf32> to vector<4608x128xf32>
    %sub3A_257 = vector.broadcast %get3A_8 : vector<4608x1xf32> to vector<4608x128xf32>
    %sub3A_258 = arith.subf %sub3A_257, %slice3A_256 : vector<4608x128xf32>
    %slice3A_259 = vector.extract_strided_slice %get3A_201 {offsets = [0, 384], sizes = [1, 128], strides = [1, 1]} : vector<1x512xf32> to vector<1x128xf32>
    %add3A_260 = vector.broadcast %slice3A_259 : vector<1x128xf32> to vector<4608x128xf32>
    %add3A_261 = arith.addf %sub3A_258, %add3A_260 : vector<4608x128xf32>
    %mul3A_262 = arith.constant 2048 : i32
    %mul3A_263 = arith.muli %arg1, %mul3A_262 : i32
    %add3A_264 = arith.constant 1024 : i32
    %add3A_265 = arith.addi %mul3A_263, %add3A_264 : i32
    %add3A_266 = arith.constant 384 : i32
    %add3A_267 = arith.addi %add3A_265, %add3A_266 : i32
    %convert_element_type3A_268 = arith.sitofp %add3A_267 : i32 to f32
    %add3A_269 = vector.broadcast %convert_element_type3A_268 : f32 to vector<4608x128xf32>
    %add3A_270 = arith.addf %convert_element_type3A_9, %add3A_269 : vector<4608x128xf32>
    %lt3A_271 = arith.cmpf olt, %add3A_261, %select_n3A_255 : vector<4608x128xf32>
    %select_n3A_272 = arith.select %lt3A_271, %add3A_270, %select_n3A_254 : vector<4608x128xi1>, vector<4608x128xf32>
    %select_n3A_273 = arith.select %lt3A_271, %add3A_261, %select_n3A_255 : vector<4608x128xi1>, vector<4608x128xf32>
    %mul3A_274 = arith.constant 2048 : i32
    %mul3A_275 = arith.muli %arg1, %mul3A_274 : i32
    %add3A_276 = arith.constant 1536 : i32
    %add3A_277 = arith.addi %mul3A_275, %add3A_276 : i32
    %get3A_278 = arith.index_cast %add3A_277 : i32 to index
    %get3A_279 = arith.constant 0 : index
    %get3A_280 = vector.load %arg4[%get3A_278, %get3A_279] : memref<8192x256xf32, #tpu.memory_space<vmem>>, vector<512x256xf32>
    %dot_general3A_281 = arith.constant dense<0.000000e+00> : vector<4608x512xf32>
    %dot_general3A_282 = tpu.matmul %mul3A_5, %get3A_280, %dot_general3A_281 {dimension_numbers = #tpu.dot_dimension_numbers<[1], [1], [0], [0], [0, 0, 1, 0], [], []>, transpose_lhs_hint = false} : vector<4608x256xf32>, vector<512x256xf32>, vector<4608x512xf32> -> vector<4608x512xf32>
    %mul3A_283 = arith.constant 2048 : i32
    %mul3A_284 = arith.muli %arg1, %mul3A_283 : i32
    %add3A_285 = arith.constant 1536 : i32
    %add3A_286 = arith.addi %mul3A_284, %add3A_285 : i32
    %get3A_287 = arith.constant 0 : index
    %get3A_288 = arith.index_cast %add3A_286 : i32 to index
    %get3A_289 = vector.load %arg5[%get3A_287, %get3A_288] : memref<1x8192xf32, #tpu.memory_space<vmem>>, vector<1x512xf32>
    %slice3A_290 = vector.extract_strided_slice %dot_general3A_282 {offsets = [0, 0], sizes = [4608, 128], strides = [1, 1]} : vector<4608x512xf32> to vector<4608x128xf32>
    %sub3A_291 = vector.broadcast %get3A_8 : vector<4608x1xf32> to vector<4608x128xf32>
    %sub3A_292 = arith.subf %sub3A_291, %slice3A_290 : vector<4608x128xf32>
    %slice3A_293 = vector.extract_strided_slice %get3A_289 {offsets = [0, 0], sizes = [1, 128], strides = [1, 1]} : vector<1x512xf32> to vector<1x128xf32>
    %add3A_294 = vector.broadcast %slice3A_293 : vector<1x128xf32> to vector<4608x128xf32>
    %add3A_295 = arith.addf %sub3A_292, %add3A_294 : vector<4608x128xf32>
    %mul3A_296 = arith.constant 2048 : i32
    %mul3A_297 = arith.muli %arg1, %mul3A_296 : i32
    %add3A_298 = arith.constant 1536 : i32
    %add3A_299 = arith.addi %mul3A_297, %add3A_298 : i32
    %add3A_300 = arith.constant 0 : i32
    %add3A_301 = arith.addi %add3A_299, %add3A_300 : i32
    %convert_element_type3A_302 = arith.sitofp %add3A_301 : i32 to f32
    %add3A_303 = vector.broadcast %convert_element_type3A_302 : f32 to vector<4608x128xf32>
    %add3A_304 = arith.addf %convert_element_type3A_9, %add3A_303 : vector<4608x128xf32>
    %lt3A_305 = arith.cmpf olt, %add3A_295, %select_n3A_273 : vector<4608x128xf32>
    %select_n3A_306 = arith.select %lt3A_305, %add3A_304, %select_n3A_272 : vector<4608x128xi1>, vector<4608x128xf32>
    %select_n3A_307 = arith.select %lt3A_305, %add3A_295, %select_n3A_273 : vector<4608x128xi1>, vector<4608x128xf32>
    %slice3A_308 = vector.extract_strided_slice %dot_general3A_282 {offsets = [0, 128], sizes = [4608, 128], strides = [1, 1]} : vector<4608x512xf32> to vector<4608x128xf32>
    %sub3A_309 = vector.broadcast %get3A_8 : vector<4608x1xf32> to vector<4608x128xf32>
    %sub3A_310 = arith.subf %sub3A_309, %slice3A_308 : vector<4608x128xf32>
    %slice3A_311 = vector.extract_strided_slice %get3A_289 {offsets = [0, 128], sizes = [1, 128], strides = [1, 1]} : vector<1x512xf32> to vector<1x128xf32>
    %add3A_312 = vector.broadcast %slice3A_311 : vector<1x128xf32> to vector<4608x128xf32>
    %add3A_313 = arith.addf %sub3A_310, %add3A_312 : vector<4608x128xf32>
    %mul3A_314 = arith.constant 2048 : i32
    %mul3A_315 = arith.muli %arg1, %mul3A_314 : i32
    %add3A_316 = arith.constant 1536 : i32
    %add3A_317 = arith.addi %mul3A_315, %add3A_316 : i32
    %add3A_318 = arith.constant 128 : i32
    %add3A_319 = arith.addi %add3A_317, %add3A_318 : i32
    %convert_element_type3A_320 = arith.sitofp %add3A_319 : i32 to f32
    %add3A_321 = vector.broadcast %convert_element_type3A_320 : f32 to vector<4608x128xf32>
    %add3A_322 = arith.addf %convert_element_type3A_9, %add3A_321 : vector<4608x128xf32>
    %lt3A_323 = arith.cmpf olt, %add3A_313, %select_n3A_307 : vector<4608x128xf32>
    %select_n3A_324 = arith.select %lt3A_323, %add3A_322, %select_n3A_306 : vector<4608x128xi1>, vector<4608x128xf32>
    %select_n3A_325 = arith.select %lt3A_323, %add3A_313, %select_n3A_307 : vector<4608x128xi1>, vector<4608x128xf32>
    %slice3A_326 = vector.extract_strided_slice %dot_general3A_282 {offsets = [0, 256], sizes = [4608, 128], strides = [1, 1]} : vector<4608x512xf32> to vector<4608x128xf32>
    %sub3A_327 = vector.broadcast %get3A_8 : vector<4608x1xf32> to vector<4608x128xf32>
    %sub3A_328 = arith.subf %sub3A_327, %slice3A_326 : vector<4608x128xf32>
    %slice3A_329 = vector.extract_strided_slice %get3A_289 {offsets = [0, 256], sizes = [1, 128], strides = [1, 1]} : vector<1x512xf32> to vector<1x128xf32>
    %add3A_330 = vector.broadcast %slice3A_329 : vector<1x128xf32> to vector<4608x128xf32>
    %add3A_331 = arith.addf %sub3A_328, %add3A_330 : vector<4608x128xf32>
    %mul3A_332 = arith.constant 2048 : i32
    %mul3A_333 = arith.muli %arg1, %mul3A_332 : i32
    %add3A_334 = arith.constant 1536 : i32
    %add3A_335 = arith.addi %mul3A_333, %add3A_334 : i32
    %add3A_336 = arith.constant 256 : i32
    %add3A_337 = arith.addi %add3A_335, %add3A_336 : i32
    %convert_element_type3A_338 = arith.sitofp %add3A_337 : i32 to f32
    %add3A_339 = vector.broadcast %convert_element_type3A_338 : f32 to vector<4608x128xf32>
    %add3A_340 = arith.addf %convert_element_type3A_9, %add3A_339 : vector<4608x128xf32>
    %lt3A_341 = arith.cmpf olt, %add3A_331, %select_n3A_325 : vector<4608x128xf32>
    %select_n3A_342 = arith.select %lt3A_341, %add3A_340, %select_n3A_324 : vector<4608x128xi1>, vector<4608x128xf32>
    %select_n3A_343 = arith.select %lt3A_341, %add3A_331, %select_n3A_325 : vector<4608x128xi1>, vector<4608x128xf32>
    %slice3A_344 = vector.extract_strided_slice %dot_general3A_282 {offsets = [0, 384], sizes = [4608, 128], strides = [1, 1]} : vector<4608x512xf32> to vector<4608x128xf32>
    %sub3A_345 = vector.broadcast %get3A_8 : vector<4608x1xf32> to vector<4608x128xf32>
    %sub3A_346 = arith.subf %sub3A_345, %slice3A_344 : vector<4608x128xf32>
    %slice3A_347 = vector.extract_strided_slice %get3A_289 {offsets = [0, 384], sizes = [1, 128], strides = [1, 1]} : vector<1x512xf32> to vector<1x128xf32>
    %add3A_348 = vector.broadcast %slice3A_347 : vector<1x128xf32> to vector<4608x128xf32>
    %add3A_349 = arith.addf %sub3A_346, %add3A_348 : vector<4608x128xf32>
    %mul3A_350 = arith.constant 2048 : i32
    %mul3A_351 = arith.muli %arg1, %mul3A_350 : i32
    %add3A_352 = arith.constant 1536 : i32
    %add3A_353 = arith.addi %mul3A_351, %add3A_352 : i32
    %add3A_354 = arith.constant 384 : i32
    %add3A_355 = arith.addi %add3A_353, %add3A_354 : i32
    %convert_element_type3A_356 = arith.sitofp %add3A_355 : i32 to f32
    %add3A_357 = vector.broadcast %convert_element_type3A_356 : f32 to vector<4608x128xf32>
    %add3A_358 = arith.addf %convert_element_type3A_9, %add3A_357 : vector<4608x128xf32>
    %lt3A_359 = arith.cmpf olt, %add3A_349, %select_n3A_343 : vector<4608x128xf32>
    %select_n3A_360 = arith.select %lt3A_359, %add3A_358, %select_n3A_342 : vector<4608x128xi1>, vector<4608x128xf32>
    %select_n3A_361 = arith.select %lt3A_359, %add3A_349, %select_n3A_343 : vector<4608x128xi1>, vector<4608x128xf32>
    %swap3A = arith.constant 0 : index
    %swap3A_362 = arith.constant 0 : index
    %swap3A_363 = vector.load %arg7[%swap3A, %swap3A_362] : memref<4608x128xf32, #tpu.memory_space<vmem>>, vector<4608x128xf32>
    tpu.vector_store %arg7[%swap3A, %swap3A_362], %select_n3A_361 {strides = array<i32>} : memref<4608x128xf32, #tpu.memory_space<vmem>>, vector<4608x128xf32>,
    %swap3A_364 = arith.constant 0 : index
    %swap3A_365 = arith.constant 0 : index
    %swap3A_366 = vector.load %arg8[%swap3A_364, %swap3A_365] : memref<4608x128xf32, #tpu.memory_space<vmem>>, vector<4608x128xf32>
    tpu.vector_store %arg8[%swap3A_364, %swap3A_365], %select_n3A_360 {strides = array<i32>} : memref<4608x128xf32, #tpu.memory_space<vmem>>, vector<4608x128xf32>,
    %eq3A_367 = arith.constant 3 : i32
    %eq3A_368 = arith.cmpi eq, %arg1, %eq3A_367 : i32
    %convert_element_type3A_369 = arith.extui %eq3A_368 : i1 to i32
    %cond3A_370 = arith.constant 0 : i32
    %cond3A_371 = arith.cmpi ne, %convert_element_type3A_369, %cond3A_370 : i32
    scf.if %cond3A_371 {
      %reduce_min3A = arith.constant dense<0x7F800000> : vector<4608xf32>
      %reduce_min3A_372 = vector.multi_reduction <minimumf>, %select_n3A_361, %reduce_min3A [1] : vector<4608x128xf32> to vector<4608xf32>
      %broadcast_in_dim3A = vector.shape_cast %reduce_min3A_372 : vector<4608xf32> to vector<4608x1xf32>
      %eq3A_373 = vector.broadcast %broadcast_in_dim3A : vector<4608x1xf32> to vector<4608x128xf32>
      %eq3A_374 = arith.cmpf oeq, %select_n3A_361, %eq3A_373 : vector<4608x128xf32>
      %jit3A = arith.constant 8.192000e+03 : f32
      %broadcast_in_dim3A_375 = vector.broadcast %jit3A : f32 to vector<4608x128xf32>
      %select_n3A_376 = arith.select %eq3A_374, %select_n3A_360, %broadcast_in_dim3A_375 : vector<4608x128xi1>, vector<4608x128xf32>
      %reduce_min3A_377 = arith.constant dense<0x7F800000> : vector<4608xf32>
      %reduce_min3A_378 = vector.multi_reduction <minimumf>, %select_n3A_376, %reduce_min3A_377 [1] : vector<4608x128xf32> to vector<4608xf32>
      %broadcast_in_dim3A_379 = vector.shape_cast %reduce_min3A_378 : vector<4608xf32> to vector<4608x1xf32>
      %convert_element_type3A_380 = arith.fptosi %broadcast_in_dim3A_379 : vector<4608x1xf32> to vector<4608x1xi32>
      %swap3A_381 = arith.constant 0 : index
      %swap3A_382 = arith.constant 0 : index
      %swap3A_383 = vector.load %arg6[%swap3A_381, %swap3A_382] : memref<4608x1xi32, #tpu.memory_space<vmem>>, vector<4608x1xi32>
      tpu.vector_store %arg6[%swap3A_381, %swap3A_382], %convert_element_type3A_380 {strides = array<i32>} : memref<4608x1xi32, #tpu.memory_space<vmem>>, vector<4608x1xi32>,
    } else {
    }
    return
  }
  func.func @transform_0(%arg0: i32, %arg1: i32) -> (i32, i32) {
    %c0_i32 = arith.constant 0 : i32
    %c0_i32_0 = arith.constant 0 : i32
    return %arg0, %c0_i32 : i32, i32
  }
  func.func @transform_1(%arg0: i32, %arg1: i32) -> (i32, i32) {
    %c0_i32 = arith.constant 0 : i32
    %c0_i32_0 = arith.constant 0 : i32
    return %arg0, %c0_i32 : i32, i32
  }
  func.func @transform_2(%arg0: i32, %arg1: i32) -> (i32, i32) {
    %c0_i32 = arith.constant 0 : i32
    %c0_i32_0 = arith.constant 0 : i32
    %c0_i32_1 = arith.constant 0 : i32
    return %c0_i32, %c0_i32_0 : i32, i32
  }
  func.func @transform_3(%arg0: i32, %arg1: i32) -> (i32, i32) {
    %c0_i32 = arith.constant 0 : i32
    %c0_i32_0 = arith.constant 0 : i32
    %c0_i32_1 = arith.constant 0 : i32
    return %c0_i32, %c0_i32_0 : i32, i32
  }
  func.func @transform_4(%arg0: i32, %arg1: i32) -> (i32, i32) {
    %c0_i32 = arith.constant 0 : i32
    %c0_i32_0 = arith.constant 0 : i32
    return %arg0, %c0_i32 : i32, i32
  }
}

</mosaic_0001>

<sc_bundles>
// kernel: kernel.4.cloned.1.call-start
scs
__scs_entry_jumppad:
0x0: {  	(pc) =	sbr.rel $0x88, $3  }
0x1: {  	(tag) =	ssettag $0x0;
	lr =	simm.s32 $0x1  }
0x2: {  	[smem:$0x3F9F] =	sst lr;
	_ =	strace $0xD0000000  }
0x3: {  	_ = 	snop  }
0x4: {  	_ = 	snop  }
0x5: {  	_ = 	snop  }
0x6: {  	_ = 	snop  }
0x7: {  	_ = 	snop  }
__scs_overlays_trampoline_lowered:
0x8: {  	[smem:$0x3FAE] =	sst s0  }
0x9: {  	[smem:$0x3FAF] =	sst s1  }
0xa: {  	[smem:$0x3FB0] =	sst s2  }
0xb: {  	[smem:$0x3FB1] =	sst s3  }
0xc: {  	[smem:$0x3FB2] =	sst s4  }
0xd: {  	[smem:$0x3FB3] =	sst s5  }
0xe: {  	[smem:$0x3FB4] =	sst s6  }
0xf: {  	[smem:$0x3FB5] =	sst s7  }
0x10: {  	[smem:$0x3FB6] =	sst s8  }
0x11: {  	[smem:$0x3FB7] =	sst s9;
	s0 =	simm.s32 @!p0 $0x0  }
0x12: {  	s1 =	sld [smem:$0x3F9D];
	s0 =	simm.s32 @p0 $0x1  }
0x13: {  	[smem:$0x3FB8] =	sst s0;
	s0 =	simm.s32 @!p1 $0x0  }
0x14: {  	s2 =	sld [smem:$0x3F9C];
	s0 =	simm.s32 @p1 $0x1  }
0x15: {  	[smem:$0x3FB9] =	sst s0;
	s0 =	simm.s32 @!p2 $0x0  }
0x16: {  	s3 =	sld [smem:$0x3FDB];
	s0 =	simm.s32 @p2 $0x1  }
0x17: {  	s4 =	simm.s32 $0x1BF5;
	[smem:$0x3FBB] =	sst s0  }
0x18: {  	s0 =	sld [smem:$0x3F9E];
	_ =	swait.ge [sflag:s4], $0x0  }
0x19: {  	s7 =	sld [smem:$0x3F9F]  }
0x1a: {  	s8 =	sadd.s32 $0xFFFFE003, lr  }
0x1b: {  	s9 =	sadd.s32 $0xFFFFFEF7, lr;
	s5 =	simm.s32 $0xFFFFFFFF;
	p2 =	slt.u32 s8, $0xFFFFF086  }
0x1c: {  	p1 =	slt.u32 s9, $0xF7A;
	s5 =	simm.s32 @!p2 $0x0  }
0x1d: {  	s5 =	simm.s32 @p1 $0x1;
	p0 =	seq.s32 s7, s2  }
0x1e: {  	s7 =	smul.u32 @!p0 $0xF7A, s2;
	p2 =	seq.s32 @!p0 s5, $0x0  }
0x1f: {  	s9 =	smul.u32 $0xF7A, s1;
	s8 =	simm.s32 @!p0 $0x1BF5;
	p2 =	por !p2, p0  }
0x20: {  	[sflag:s8] =	ssyncset.s32 @!p0 $0xFFFFF086;
	s6 =	sadd.s32 @!p0 s3, s7;
	s7 =	simm.s32 @!p0 $0x108  }
0x21: {  	s3 =	sadd.s32 s3, s9;
	s6 =	sadd.s32 @!p0 $0x88, s6;
	s7 =	simm.s32 @p2 $0x1082  }
0x22: {  	[simem:s7], [sflag:s8] =	dma.local @!p0 [hbm:s6], $0xF7A  }
0x23: {  	s9 =	sor.u32 $0xD0000000, s2;
	s6 =	simm.s32 $0x108;
	_ =	swait.ge @!p0 [sflag:s8], $0x0  }
0x24: {  	s3 =	sadd.s32 $0x88, s3;
	s6 =	simm.s32 @!p1 $0x1082;
	[sflag:s4] =	ssyncset.s32 $0xFFFFF086  }
0x25: {  	[simem:s6], [sflag:s4] =	dma.local [hbm:s3], $0xF7A  }
0x26: {  	[smem:$0x3F9F] =	sst s1;
	(tag) =	ssettag s2;
	_ =	strace s9  }
0x27: {  	s1 =	sld [smem:$0x3FAF]  }
0x28: {  	s2 =	sld [smem:$0x3FB0]  }
0x29: {  	s4 =	sld [smem:$0x3FB2]  }
0x2a: {  	p0 =	seq.s32 s5, $0x0;
	s5 =	sld [smem:$0x3FB3]  }
0x2b: {  	s6 =	sld [smem:$0x3FB4]  }
0x2c: {  	s7 =	sld [smem:$0x3FB5]  }
0x2d: {  	s3 =	simm.s32 $0x108;
	s8 =	sld [smem:$0x3FB6]  }
0x2e: {  	s3 =	simm.s32 @!p0 $0x1082;
	s9 =	sld [smem:$0x3FB7]  }
0x2f: {  	lr =	sadd.s32 s0, s3;
	s0 =	sld [smem:$0x3FAE]  }
0x30: {  	s3 =	sld [smem:$0x3FB1]  }
0x31: {  	[smem:$0x3FBA] =	sst s10  }
0x32: {  	s10 =	sld [smem:$0x3FB8];
	_ =	sdelay $0x3  }
0x33: {  	p0 =	seq.s32 s10, $0x1;
	s10 =	sld [smem:$0x3FBA];
	_ =	sdelay $0x3  }
0x34: {  	[smem:$0x3FBA] =	sst s10  }
0x35: {  	s10 =	sld [smem:$0x3FB9];
	_ =	sdelay $0x3  }
0x36: {  	p1 =	seq.s32 s10, $0x1;
	s10 =	sld [smem:$0x3FBA];
	_ =	sdelay $0x3  }
0x37: {  	[smem:$0x3FBA] =	sst s10  }
0x38: {  	s10 =	sld [smem:$0x3FBB]  }
0x39: {  	_ = 	snop;
	(pc) =	sbr.ind lr, $3  }
0x3a: {  	_ = 	snop  }
0x3b: {  	_ = 	snop  }
0x3c: {  	p2 =	seq.s32 s10, $0x1;
	s10 =	sld [smem:$0x3FBA]  }
0x3d: {  	_ =	shalt  }
0x3e: {  	_ =	shalt  }
0x3f: {  	_ =	shalt  }
0x40: {  	_ =	shalt  }
0x41: {  	_ =	shalt  }
0x42: {  	_ =	shalt  }
0x43: {  	_ =	shalt  }
0x44: {  	_ =	shalt  }
0x45: {  	_ =	shalt  }
0x46: {  	_ =	shalt  }
0x47: {  	_ =	shalt  }
0x48: {  	_ =	shalt  }
0x49: {  	_ =	shalt  }
0x4a: {  	_ =	shalt  }
0x4b: {  	_ =	shalt  }
0x4c: {  	_ =	shalt  }
0x4d: {  	_ =	shalt  }
0x4e: {  	_ =	shalt  }
0x4f: {  	_ =	shalt  }
0x50: {  	_ =	shalt  }
0x51: {  	_ =	shalt  }
0x52: {  	_ =	shalt  }
0x53: {  	_ =	shalt  }
0x54: {  	_ =	shalt  }
0x55: {  	_ =	shalt  }
0x56: {  	_ =	shalt  }
0x57: {  	_ =	shalt  }
0x58: {  	_ =	shalt  }
0x59: {  	_ =	shalt  }
0x5a: {  	_ =	shalt  }
0x5b: {  	_ =	shalt  }
0x5c: {  	_ =	shalt  }
0x5d: {  	_ =	shalt  }
0x5e: {  	_ =	shalt  }
0x5f: {  	_ =	shalt  }
0x60: {  	_ =	shalt  }
0x61: {  	_ =	shalt  }
0x62: {  	_ =	shalt  }
0x63: {  	_ =	shalt  }
0x64: {  	_ =	shalt  }
0x65: {  	_ =	shalt  }
0x66: {  	_ =	shalt  }
0x67: {  	_ =	shalt  }
0x68: {  	_ =	shalt  }
0x69: {  	_ =	shalt  }
0x6a: {  	_ =	shalt  }
0x6b: {  	_ =	shalt  }
0x6c: {  	_ =	shalt  }
0x6d: {  	_ =	shalt  }
0x6e: {  	_ =	shalt  }
0x6f: {  	_ =	shalt  }
0x70: {  	_ =	shalt  }
0x71: {  	_ =	shalt  }
0x72: {  	_ =	shalt  }
0x73: {  	_ =	shalt  }
0x74: {  	_ =	shalt  }
0x75: {  	_ =	shalt  }
0x76: {  	_ =	shalt  }
0x77: {  	_ =	shalt  }
0x78: {  	_ =	shalt  }
0x79: {  	_ =	shalt  }
0x7a: {  	_ =	shalt  }
0x7b: {  	_ =	shalt  }
0x7c: {  	_ =	shalt  }
0x7d: {  	_ =	shalt  }
0x7e: {  	_ =	shalt  }
0x7f: {  	_ =	shalt  }
0x80: {  	_ =	shalt  }
0x81: {  	_ =	shalt  }
0x82: {  	_ =	shalt  }
0x83: {  	_ =	shalt  }
0x84: {  	_ =	shalt  }
0x85: {  	_ =	shalt  }
0x86: {  	_ =	shalt  }
0x87: {  	_ =	shalt  }
.Lfunc_end0:
.L_simem_size_0:
called_computation_lowered:
.L_overlay_start_0:
0x88: {  	s2 =	sld [smem:$0x3FD9]  }
0x89: {  	s3 =	sld [smem:$0x3FFE];
	_ =	sdelay $0x1  }
0x8a: {  	s1 =	srdreg.scid  }
0x8b: {  	s0 =	sand.u32 $0x1, s1  }
0x8c: {  	s14 =	sshll.u32 s0, $0xA;
	s2 =	sadd.s32 s3, s2  }
0x8d: {  	s2 =	sadd.s32 s2, s14  }
0x8e: {  	[smem:$0x3FC6] =	sst s2  }
0x8f: {  	_ = 	snop  }
0x90: {  	s2 =	sld [smem:$0x3FD0];
	_ =	sdelay $0x2  }
0x91: {  	s4 =	simm.s32 $0xA;
	s5 =	simm.s32 $0x10;
	s15 =	sld [smem:$0x3FC8]  }
0x92: {  	[smem:s5], [sflag:s4] =	dma.local [hbm:s2], $0x1  }
0x93: {  	_ =	swait.eq [sflag:s4], $0x1  }
0x94: {  	[sflag:s4] =	ssyncset.done $0x0  }
0x95: {  	[sflag:s4] =	ssyncadd.s32 $0xFFFFFFFF  }
0x96: {  	s16 =	sld [smem:$0x10];
	(tm) =	ssettm $0x1  }
0x97: {  	s17 =	sld [smem:$0x3FFB];
	_ =	sdelay $0x3  }
0x98: {  	_ =	strace s17  }
0x99: {  	s4 =	sld [smem:$0x3FFC];
	_ =	sdelay $0x3  }
0x9a: {  	_ =	strace s4  }
0x9b: {  	s4 =	sld [smem:$0x3FFD];
	_ =	sdelay $0x3  }
0x9c: {  	_ =	strace s4  }
0x9d: {  	_ =	strace $0x8FFFFFFF  }
0x9e: {  	s18 =	sld [smem:$0x3FDB];
	_ =	sdelay $0x1  }
0x9f: {  	s19 =	simm.s32 $_scs_section_size  }
0xa0: {  	s6 =	simm.s32 $_size__tile_overlayer_lowered;
	s7 =	simm.s32 $_tile_overlayer_lowered  }
0xa1: {  	s22 =	simm.s32 $0x1BFF;
	s21 =	sshll.u32 s7, $0x1;
	s4 =	sadd.s32 s19, s18  }
0xa2: {  	s8 =	simm.s32 $0x0;
	s20 =	sshll.u32 s6, $0x1;
	s6 =	sadd.s32 s21, s4  }
0xa3: {  	[timem:s8], [sflag:s22] =	dma.local [hbm:s6], s20  }
0xa4: {  	_ =	swait.ge [sflag:s22], s20  }
0xa5: {  	s5 =	ssub.s32 $0x0, s20;
	[sflag:s22] =	ssyncset.done $0x0  }
0xa6: {  	[sflag:s22] =	ssyncadd.s32 s5;
	_ =	sdelay $0x1  }
0xa7: {  	s23 =	simm.s32 $0x1B8B  }
0xa8: {  	_ =	swait.ge [sflag:s23], $0x1  }
0xa9: {  	[sflag:s23] =	ssyncset.done $0x0  }
0xaa: {  	s25 =	simm.s32 $0x1B8E;
	s24 =	sld [smem:$0x3FFE];
	[sflag:s23] =	ssyncadd.s32 $0xFFFFFFFF  }
0xab: {  	s26 =	simm.s32 $execute0_lowered;
	[smem:$0x3FD2] =	sst s25  }
0xac: {  	s6 =	sshll.u32 s26, $0x1;
	_ =	strace $0x80000046;
	[dreg:$0x1] =	wrdreg $0xFFFFFFFF  }
0xad: {  	s28 =	simm.s32 $_size_execute0_lowered;
	s4 =	sadd.s32 s4, s6;
	[dreg:$0x0] =	wrdreg $0x0  }
0xae: {  	s6 =	sshll.u32 s28, $0x1;
	[dreg:$0x2] =	wrdreg s4  }
0xaf: {  	[dreg:$0x3] =	wrdreg s6  }
0xb0: {  	[dreg:$0x4] =	wrdreg $0xC0  }
0xb1: {  	_ =	task [dreg:s8], $0x5FFFF  }
0xb2: {  	[dreg:$0x1] =	wrdreg $0xFFFFFFFF  }
0xb3: {  	[dreg:$0x0] =	wrdreg $0x60  }
0xb4: {  	[dreg:$0x2] =	wrdreg s15  }
0xb5: {  	[dreg:$0x3] =	wrdreg s24  }
0xb6: {  	[dreg:$0x4] =	wrdreg s16  }
0xb7: {  	[dreg:$0x5] =	wrdreg $0x9  }
0xb8: {  	_ =	task.clear_ibuf [dreg:s8], $0x6FFFF;
	_ =	strace $0x90000046  }
0xb9: {  	s29 =	simm.s32 $0x9;
	_ =	strace $0x80000048  }
0xba: {  	_ =	swait.ge [sflag:s29], $0x1  }
0xbb: {  	[sflag:s29] =	ssyncadd.s32 $0xFFFFFFFF  }
0xbc: {  	_ =	strace $0x90000048  }
0xbd: {  	_ =	sfence  }
0xbe: {  	s30 =	sld [smem:$0x0];
	_ =	sdelay $0x2  }
0xbf: {  	s31 =	sshll.u32 s1, $0xD;
	s1 =	sshrl.u32 s1, $0x2  }
0xc0: {  	s3 =	sand.u32 $0x4000, s31;
	s1 =	sadd.s32 s1, s30  }
0xc1: {  	s0 =	sor.u32 s3, s0;
	s1 =	sshll.u32 s1, $0x11  }
0xc2: {  	s0 =	sor.u32 s1, s0  }
0xc3: {  	s0 =	sadd.s32 $0x8F2B, s0  }
0xc4: {  	[sflag:s0] =	ssyncadd.remote.s32 $0x1  }
0xc5: {  	_ =	sfence.sel $0xFFFF  }
0xc6: {  	[dreg:$0x0] =	wrdreg $0xFFFFFFFF;
	(pc) =	sbr.abs _section_cstart, $3  }
0xc7: {  	[dreg:$0x1] =	wrdreg $0xFFFFFFFF  }
0xc8: {  	_ =	task.clear_ibuf [dreg:s8], $0x2FFFF;
	_ =	strace $0x9FFFFFFF  }
0xc9: {  	(tm) =	ssettm $0x7FFFFFFF  }
tec
execute0_lowered:
.L_overlay_start_1:
0x0: {  	(tag) =	ssettag $0x1  }
0x1: {  	s1 =	rddreg [dreg:$0x0]  }
0x2: {  	s5 =	rddreg [dreg:$0x1];
	s2 =	srdreg.scid  }
0x3: {  	s0 =	stileid.u32;
	s6 =	rddreg [dreg:$0x2];
	s3 =	simm.s32 $0x0  }
0x4: {  	s11 =	simm.s32 $0x900;
	s12 =	simm.s32 $0x1100;
	s13 =	simm.s32 $0x1900  }
0x5: {  	s14 =	simm.s32 $0x2100;
	s15 =	simm.s32 $0x2900;
	s16 =	simm.s32 $0x3100  }
0x6: {  	s17 =	simm.s32 $0x3900;
	s18 =	simm.s32 $0x4100;
	s19 =	simm.s32 $0x4900  }
0x7: {  	s20 =	simm.s32 $0x5100;
	s21 =	simm.s32 $0x5900;
	s22 =	simm.s32 $0x6100  }
0x8: {  	s23 =	simm.s32 $0x6900;
	s24 =	simm.s32 $0x7100;
	s25 =	simm.s32 $0x7900  }
0x9: {  	s26 =	simm.s32 $0x8100;
	s4 =	sand.u32 $0x1, s2;
	s7 =	sshll.u32 s0, $0x1  }
0xa: {  	s28 =	simm.s32 $0x8900;
	s29 =	simm.s32 $0x1;
	s7 =	sor.u32 s4, s7  }
0xb: {  	s2 =	rddreg [dreg:$0x3];
	s4 =	ssub.s32 $0x2, s4;
	s8 =	smul.u32 $0x90, s7  }
0xc: {  	[smem:$0x7FF] =	sst s3;
	s9 =	sshrl.u32 s4, $0x1;
	s7 =	smul.u32 $0x1200, s7  }
0xd: {  	_ =	strace $0x80000047;
	s9 =	ssub.s32 s4, s9;
	s10 =	sshrl.u32 s8, $0x3  }
0xe: {  	v2 =	vlaneseq.u32;
	s8 =	sadd.s32 $0x48, s8;
	s6 =	sadd.s32 s6, s7;
	s7 =	smax.u32 s9, $0x1  }
0xf: {  	vm0 =	vmmov $0xffff;
	v1 =	vshrl.u32 v2, $0x3;
	s9 =	simm.s32 $0x80;
	s4 =	sadd.s32 s5, s10;
	s8 =	sshrl.u32 s8, $0x3  }
0x10: {  	v0 =	vand.u32 $0x7, v2;
	v2 =	vor.u32 $0x8, v2;
	v1 =	vmul.u32 $0x8, v1;
	s10 =	simm.s32 $0x100;
	s5 =	sadd.s32 s5, s8;
	s8 =	simm.s32 $0x2  }
.LBB2_1:
0x11: {  	[tilespmem:s3], [sflag:$0x2] =	stream.linear.gather [hbm4b:s4+s3], $0x48, $0x38;
	[tilespmem:$0x9100] =	vst v63  }
0x12: {  	_ =	swait.ge [sflag:s8], $0x48  }
0x13: {  	[sflag:s8] =	ssyncset.done $0x0  }
0x14: {  	[sflag:s8] =	ssyncadd.s32 $0xFFFFFFB8  }
0x15: {  	[tilespmem:s9], [sflag:$0x2] =	stream.linear.gather [hbm4b:s5+s3], $0x48, $0x38;
	[tilespmem:$0x9100] =	vst v63  }
0x16: {  	_ =	swait.ge [sflag:s8], $0x48  }
0x17: {  	[sflag:s8] =	ssyncset.done $0x0  }
0x18: {  	[sflag:s8] =	ssyncadd.s32 $0xFFFFFFB8  }
0x19: {  	v3 =	vld [tilespmem:$0x0];
	_ =	sdelay $0x4  }
0x1a: {  	v4 =	vshll.u32 v3, $0x1  }
0x1b: {  	v3 =	vand.u32 $0x7, v3;
	v4 =	vand.u32 $0xFFFFFFF0, v4  }
0x1c: {  	v3 =	vor.u32 v3, v4  }
0x1d: {  	v4 =	vperm.xlane v3, v0;
	_ =	sdelay $0x1  }
0x1e: {  	v3 =	vperm.xlane v3, v2;
	v4 =	vadd.s32 v1, v4;
	_ =	sdelay $0x1  }
0x1f: {  	v3 =	vadd.s32 v1, v3;
	_ =	sdelay $0x2  }
0x20: {  	[tilespmem:s10], [sflag:$0x1] =	stream.indirect_vreg.gather [hbm4b:s1+s3], $0x80, v4, vm0, $0xb8;
	[tilespmem:$0x9100] =	vst v63  }
0x21: {  	_ = 	snop  }
0x22: {  	[tilespmem:s11], [sflag:$0x1] =	stream.indirect_vreg.gather [hbm4b:s1+s3], $0x80, v3, vm0, $0xb8;
	[tilespmem:$0x9100] =	vst v63  }
0x23: {  	v3 =	vld [tilespmem:$0x10];
	_ =	sdelay $0x4  }
0x24: {  	v55 =	vshll.u32 v3, $0x1  }
0x25: {  	v3 =	vand.u32 $0x7, v3;
	v4 =	vand.u32 $0xFFFFFFF0, v55  }
0x26: {  	v3 =	vor.u32 v3, v4  }
0x27: {  	v4 =	vperm.xlane v3, v0;
	_ =	sdelay $0x1  }
0x28: {  	v3 =	vperm.xlane v3, v2;
	v4 =	vadd.s32 v1, v4;
	_ =	sdelay $0x1  }
0x29: {  	v3 =	vadd.s32 v1, v3;
	_ =	sdelay $0x2  }
0x2a: {  	[tilespmem:s12], [sflag:$0x1] =	stream.indirect_vreg.gather [hbm4b:s1+s3], $0x80, v4, vm0, $0xb8;
	[tilespmem:$0x9100] =	vst v63  }
0x2b: {  	_ = 	snop  }
0x2c: {  	[tilespmem:s13], [sflag:$0x1] =	stream.indirect_vreg.gather [hbm4b:s1+s3], $0x80, v3, vm0, $0xb8;
	[tilespmem:$0x9100] =	vst v63  }
0x2d: {  	v3 =	vld [tilespmem:$0x20];
	_ =	sdelay $0x4  }
0x2e: {  	v56 =	vshll.u32 v3, $0x1  }
0x2f: {  	v3 =	vand.u32 $0x7, v3;
	v4 =	vand.u32 $0xFFFFFFF0, v56  }
0x30: {  	v3 =	vor.u32 v3, v4  }
0x31: {  	v4 =	vperm.xlane v3, v0;
	_ =	sdelay $0x1  }
0x32: {  	v3 =	vperm.xlane v3, v2;
	v4 =	vadd.s32 v1, v4;
	_ =	sdelay $0x1  }
0x33: {  	v3 =	vadd.s32 v1, v3;
	_ =	sdelay $0x2  }
0x34: {  	[tilespmem:s14], [sflag:$0x1] =	stream.indirect_vreg.gather [hbm4b:s1+s3], $0x80, v4, vm0, $0xb8;
	[tilespmem:$0x9100] =	vst v63  }
0x35: {  	_ = 	snop  }
0x36: {  	[tilespmem:s15], [sflag:$0x1] =	stream.indirect_vreg.gather [hbm4b:s1+s3], $0x80, v3, vm0, $0xb8;
	[tilespmem:$0x9100] =	vst v63  }
0x37: {  	v3 =	vld [tilespmem:$0x30];
	_ =	sdelay $0x4  }
0x38: {  	v57 =	vshll.u32 v3, $0x1  }
0x39: {  	v3 =	vand.u32 $0x7, v3;
	v4 =	vand.u32 $0xFFFFFFF0, v57  }
0x3a: {  	v3 =	vor.u32 v3, v4  }
0x3b: {  	v4 =	vperm.xlane v3, v0;
	_ =	sdelay $0x1  }
0x3c: {  	v3 =	vperm.xlane v3, v2;
	v4 =	vadd.s32 v1, v4;
	_ =	sdelay $0x1  }
0x3d: {  	v3 =	vadd.s32 v1, v3;
	_ =	sdelay $0x2  }
0x3e: {  	[tilespmem:s16], [sflag:$0x1] =	stream.indirect_vreg.gather [hbm4b:s1+s3], $0x80, v4, vm0, $0xb8;
	[tilespmem:$0x9100] =	vst v63  }
0x3f: {  	_ = 	snop  }
0x40: {  	[tilespmem:s17], [sflag:$0x1] =	stream.indirect_vreg.gather [hbm4b:s1+s3], $0x80, v3, vm0, $0xb8;
	[tilespmem:$0x9100] =	vst v63  }
0x41: {  	v3 =	vld.msk [tilespmem:$0x40], $0xff;
	_ =	sdelay $0x4  }
0x42: {  	v58 =	vshll.u32 v3, $0x1  }
0x43: {  	v3 =	vand.u32 $0x7, v3;
	v4 =	vand.u32 $0xFFFFFFF0, v58  }
0x44: {  	v3 =	vor.u32 v3, v4  }
0x45: {  	v3 =	vperm.xlane v3, v0;
	_ =	sdelay $0x1  }
0x46: {  	v3 =	vadd.s32 v1, v3;
	_ =	sdelay $0x4  }
0x47: {  	[tilespmem:s18], [sflag:$0x1] =	stream.indirect_vreg.gather [hbm4b:s1+s3], $0x80, v3, vm0, $0xb8;
	[tilespmem:$0x9100] =	vst v63  }
0x48: {  	v3 =	vld [tilespmem:$0x80];
	_ =	sdelay $0x4  }
0x49: {  	v59 =	vshll.u32 v3, $0x1  }
0x4a: {  	v3 =	vand.u32 $0x7, v3;
	v4 =	vand.u32 $0xFFFFFFF0, v59  }
0x4b: {  	v3 =	vor.u32 v3, v4  }
0x4c: {  	v4 =	vperm.xlane v3, v0;
	_ =	sdelay $0x1  }
0x4d: {  	v3 =	vperm.xlane v3, v2;
	v4 =	vadd.s32 v1, v4;
	_ =	sdelay $0x1  }
0x4e: {  	v3 =	vadd.s32 v1, v3;
	_ =	sdelay $0x2  }
0x4f: {  	[tilespmem:s19], [sflag:$0x1] =	stream.indirect_vreg.gather [hbm4b:s1+s3], $0x80, v4, vm0, $0xb8;
	[tilespmem:$0x9100] =	vst v63  }
0x50: {  	_ = 	snop  }
0x51: {  	[tilespmem:s20], [sflag:$0x1] =	stream.indirect_vreg.gather [hbm4b:s1+s3], $0x80, v3, vm0, $0xb8;
	[tilespmem:$0x9100] =	vst v63  }
0x52: {  	v3 =	vld [tilespmem:$0x90];
	_ =	sdelay $0x4  }
0x53: {  	v60 =	vshll.u32 v3, $0x1  }
0x54: {  	v3 =	vand.u32 $0x7, v3;
	v4 =	vand.u32 $0xFFFFFFF0, v60  }
0x55: {  	v3 =	vor.u32 v3, v4  }
0x56: {  	v4 =	vperm.xlane v3, v0;
	_ =	sdelay $0x1  }
0x57: {  	v3 =	vperm.xlane v3, v2;
	v4 =	vadd.s32 v1, v4;
	_ =	sdelay $0x1  }
0x58: {  	v3 =	vadd.s32 v1, v3;
	_ =	sdelay $0x2  }
0x59: {  	[tilespmem:s21], [sflag:$0x1] =	stream.indirect_vreg.gather [hbm4b:s1+s3], $0x80, v4, vm0, $0xb8;
	[tilespmem:$0x9100] =	vst v63  }
0x5a: {  	_ = 	snop  }
0x5b: {  	[tilespmem:s22], [sflag:$0x1] =	stream.indirect_vreg.gather [hbm4b:s1+s3], $0x80, v3, vm0, $0xb8;
	[tilespmem:$0x9100] =	vst v63  }
0x5c: {  	v3 =	vld [tilespmem:$0xA0];
	_ =	sdelay $0x4  }
0x5d: {  	v61 =	vshll.u32 v3, $0x1  }
0x5e: {  	v3 =	vand.u32 $0x7, v3;
	v4 =	vand.u32 $0xFFFFFFF0, v61  }
0x5f: {  	v3 =	vor.u32 v3, v4  }
0x60: {  	v4 =	vperm.xlane v3, v0;
	_ =	sdelay $0x1  }
0x61: {  	v3 =	vperm.xlane v3, v2;
	v4 =	vadd.s32 v1, v4;
	_ =	sdelay $0x1  }
0x62: {  	v3 =	vadd.s32 v1, v3;
	_ =	sdelay $0x2  }
0x63: {  	[tilespmem:s23], [sflag:$0x1] =	stream.indirect_vreg.gather [hbm4b:s1+s3], $0x80, v4, vm0, $0xb8;
	[tilespmem:$0x9100] =	vst v63  }
0x64: {  	_ = 	snop  }
0x65: {  	[tilespmem:s24], [sflag:$0x1] =	stream.indirect_vreg.gather [hbm4b:s1+s3], $0x80, v3, vm0, $0xb8;
	[tilespmem:$0x9100] =	vst v63  }
0x66: {  	v3 =	vld [tilespmem:$0xB0];
	_ =	sdelay $0x4  }
0x67: {  	v62 =	vshll.u32 v3, $0x1  }
0x68: {  	v3 =	vand.u32 $0x7, v3;
	v4 =	vand.u32 $0xFFFFFFF0, v62  }
0x69: {  	v3 =	vor.u32 v3, v4  }
0x6a: {  	v4 =	vperm.xlane v3, v0;
	_ =	sdelay $0x1  }
0x6b: {  	v3 =	vperm.xlane v3, v2;
	v4 =	vadd.s32 v1, v4;
	_ =	sdelay $0x1  }
0x6c: {  	v3 =	vadd.s32 v1, v3;
	_ =	sdelay $0x2  }
0x6d: {  	[tilespmem:s25], [sflag:$0x1] =	stream.indirect_vreg.gather [hbm4b:s1+s3], $0x80, v4, vm0, $0xb8;
	[tilespmem:$0x9100] =	vst v63  }
0x6e: {  	_ = 	snop  }
0x6f: {  	[tilespmem:s26], [sflag:$0x1] =	stream.indirect_vreg.gather [hbm4b:s1+s3], $0x80, v3, vm0, $0xb8;
	[tilespmem:$0x9100] =	vst v63  }
0x70: {  	v3 =	vld.msk [tilespmem:$0xC0], $0xff;
	_ =	sdelay $0x4  }
0x71: {  	v63 =	vshll.u32 v3, $0x1  }
0x72: {  	v3 =	vand.u32 $0x7, v3;
	v4 =	vand.u32 $0xFFFFFFF0, v63  }
0x73: {  	v3 =	vor.u32 v3, v4  }
0x74: {  	v3 =	vperm.xlane v3, v0;
	_ =	sdelay $0x1  }
0x75: {  	v3 =	vadd.s32 v1, v3;
	_ =	sdelay $0x4  }
0x76: {  	[tilespmem:s28], [sflag:$0x1] =	stream.indirect_vreg.gather [hbm4b:s1+s3], $0x80, v3, vm0, $0xb8;
	[tilespmem:$0x9100] =	vst v63  }
0x77: {  	_ =	swait.ge [sflag:s29], $0x4800  }
0x78: {  	[sflag:s29] =	ssyncset.done $0x0  }
0x79: {  	[sflag:s29] =	ssyncadd.s32 $0xFFFFB800  }
0x7a: {  	_ =	swait.ge [sflag:s29], $0x4800  }
0x7b: {  	p0 =	sne.s32 s7, $0x1;
	[sflag:s29] =	ssyncset.done $0x0  }
.Ltmp0:
0x7c: {  	[sflag:s29] =	ssyncadd.s32 $0xFFFFB800;
	(pc) =	sbr.rel @p0 .LBB2_1-.Ltmp0, $4  }
0x7d: {  	[hbm4b:s6+s3] =	stream.linear.scatter [tilespmem:s10], [sflag:$0x2], $0x9000, $0x38;
	[tilespmem:$0x9100] =	vst v63  }
0x7e: {  	_ =	swait.ge [sflag:s8], $0x9000  }
0x7f: {  	[sflag:s8] =	ssyncset.done $0x0  }
0x80: {  	s7 =	sadd.s32 $0xFFFFFFFF, s7;
	[sflag:s8] =	ssyncadd.s32 $0xFFFF7000  }
0x81: {  	_ =	sfence.sel $0x180000  }
0x82: {  	[bflag:$0x0] =	sbarrier.arrive $0xFFFF  }
0x83: {  	p0 =	sne.s32 s0, $0x0;
	_ =	strace $0x90000047  }
0x84: {  	s0 =	sadd.s32 @!p0 $0x100000, s2;
	[bflag:$0x2] =	sbarrier.arrive $0xFFFF  }
0x85: {  	[sflag:s0] =	ssyncadd.tile.s32 @!p0 $0x1;
	_ =	shalt  }
.Lfunc_end2:
_tile_overlayer_lowered:
.L_overlay_start_2:
0x86: {  	(tag) =	ssettag $0x2  }
0x87: {  	s0 =	rddreg [dreg:$0x0];
	s2 =	stileid.u32  }
0x88: {  	s1 =	rddreg [dreg:$0x1];
	p0 =	sne.s32 s2, $0x0  }
0x89: {  	s3 =	rddreg [dreg:$0x2];
	[bflag:$0x3] =	sbarrier.arrive $0xFFFF;
	s2 =	simm.s32 @!p0 $0x1C02  }
0x8a: {  	[timem:s3], [sflag:s2] =	dma.local @!p0 [hbm:s0], s1  }
0x8b: {  	s0 =	simm.s32 @!p0 $0x2  }
0x8c: {  	_ =	swait.ge @!p0 [sflag:s0], s1  }
0x8d: {  	s1 =	ssub.s32 @!p0 $0x0, s1;
	[sflag:s0] =	ssyncset.done @!p0 $0x0  }
0x8e: {  	[sflag:s0] =	ssyncadd.s32 @!p0 s1  }
0x8f: {  	[bflag:$0x3] =	sbarrier.arrive $0xFFFF  }
0x90: {  	_ =	shalt  }

</sc_bundles>
